<compile_context>
chip_gen: v7x
topology: tpu7x:2x2x1
jax: 0.10.2.dev20260603
libtpu: 0.0.44.dev20260713+nightly
codegen_flags: <defaults>
</compile_context>

<pallas_src>
import functools

import jax
import jax.numpy as jnp
from jax import lax
from jax.experimental import pallas as pl
from jax.experimental.pallas import tpu as pltpu
from jax.experimental.pallas import tpu_sc as plsc

_NC = 2
_NS = 16
_NW = _NC * _NS
_LANES = 16
_CHUNK = 32768
_SC_ROWS = 6144
_TC_BLOCK_ROWS = 1024


def _sc_clip(total_elems):
    per_worker = total_elems // _NW
    n_chunks = per_worker // _CHUNK
    assert per_worker % _CHUNK == 0 and n_chunks % 2 == 0

    mesh = plsc.VectorSubcoreMesh(core_axis_name="c", subcore_axis_name="s")

    @functools.partial(
        pl.kernel,
        out_type=jax.ShapeDtypeStruct((total_elems,), jnp.float32),
        mesh=mesh,
        scratch_types=[
            [pltpu.VMEM((_CHUNK,), jnp.float32)] * 2,
            [pltpu.SemaphoreType.DMA] * 2,
            [pltpu.SemaphoreType.DMA] * 2,
        ],
    )
    def body(x_hbm, o_hbm, bufs, in_sems, out_sems):
        wid = lax.axis_index("s") * _NC + lax.axis_index("c")
        base = wid * per_worker

        def compute(buf):
            @pl.loop(0, _CHUNK, step=_LANES, unroll=8)
            def _(j):
                v = buf[pl.ds(j, _LANES)]
                buf[pl.ds(j, _LANES)] = jnp.minimum(jnp.maximum(v, 0.0), 1.0)

        def chunk_slice(idx):
            return pl.ds(base + idx * _CHUNK, _CHUNK)

        pltpu.async_copy(x_hbm.at[chunk_slice(0)], bufs[0], in_sems[0])

        @pl.loop(0, n_chunks, step=2)
        def _(i):
            for b in range(2):
                idx = i + b
                nb = 1 - b

                @pl.when(idx + 1 < n_chunks)
                def _():
                    @pl.when(idx >= 1)
                    def _():
                        pltpu.make_async_copy(
                            bufs[nb], o_hbm.at[chunk_slice(idx - 1)],
                            out_sems[nb]).wait()
                    pltpu.async_copy(
                        x_hbm.at[chunk_slice(idx + 1)], bufs[nb], in_sems[nb])

                pltpu.make_async_copy(
                    x_hbm.at[chunk_slice(idx)], bufs[b], in_sems[b]).wait()
                compute(bufs[b])
                pltpu.async_copy(
                    bufs[b], o_hbm.at[chunk_slice(idx)], out_sems[b])

        for b in range(2):
            pltpu.make_async_copy(
                bufs[b], o_hbm.at[chunk_slice(b)], out_sems[b]).wait()

    return body


def _tc_clip_kernel(x_ref, o_ref):
    o_ref[...] = jnp.clip(x_ref[...], 0.0, 1.0)


def _tc_clip(x, row_start, n_rows):
    n_cols = x.shape[1]
    grid = (n_rows // _TC_BLOCK_ROWS,)
    blk = row_start // _TC_BLOCK_ROWS
    return pl.pallas_call(
        _tc_clip_kernel,
        grid=grid,
        in_specs=[pl.BlockSpec((_TC_BLOCK_ROWS, n_cols),
                               lambda i, blk=blk: (i + blk, 0))],
        out_specs=pl.BlockSpec((_TC_BLOCK_ROWS, n_cols), lambda i: (i, 0)),
        out_shape=jax.ShapeDtypeStruct((n_rows, n_cols), x.dtype),
        compiler_params=pltpu.CompilerParams(
            dimension_semantics=("arbitrary",),
        ),
    )(x)


def kernel(x):
    n_rows, n_cols = x.shape
    sc_elems = _SC_ROWS * n_cols
    y_sc = _sc_clip(sc_elems)(x.reshape(n_rows * n_cols))
    y_tc = _tc_clip(x, _SC_ROWS, n_rows - _SC_ROWS)
    return jnp.concatenate(
        [y_sc.reshape(_SC_ROWS, n_cols), y_tc], axis=0)

# --- scband reference (transcript-rebuilt; emitter-appended) ---
"""Pipeline reference for scband-preset-activation-47837345743521 (READ-ONLY COPY).

The authoritative reference and input builder live on the scoring server;
editing this copy changes nothing except your own understanding.
"""

import jax, jax.numpy as jnp
import numpy as np


def setup_inputs(seed: int = 0) -> dict:
    key = jax.random.key(seed)
    x = jax.random.normal(key, (32768, 2048), dtype=jnp.float32)
    return {"x": x}


def reference(x):
    # PresetActivation with cat_softmax_activation=False:
    # applies nn.Hardtanh(min_val=0.0, max_val=1.0) elementwise to the whole input.
    return jnp.clip(x, 0.0, 1.0)

if __name__ == "__main__":
    import jax
    _d = setup_inputs()
    print(jax.jit(kernel)(*tuple(_d.values())))

</pallas_src>

<mosaic_0001>
#map = affine_map<(d0, d1) -> (0)>
module attributes {stable_mosaic.version = 14 : i64} {
  func.func @body(%arg0: i32, %arg1: i32, %arg2: memref<67108864xf32, #tpu.memory_space<hbm>>, %arg3: memref<12582912xf32, #tpu.memory_space<hbm>>, %arg4: memref<32768xf32, #tpu.memory_space<vmem>>, %arg5: memref<32768xf32, #tpu.memory_space<vmem>>, %arg6: memref<!tpu.dma_semaphore, #tpu.memory_space<semaphore_mem>>, %arg7: memref<!tpu.dma_semaphore, #tpu.memory_space<semaphore_mem>>, %arg8: memref<!tpu.dma_semaphore, #tpu.memory_space<semaphore_mem>>, %arg9: memref<!tpu.dma_semaphore, #tpu.memory_space<semaphore_mem>>) attributes {dimension_semantics = [#tpu.dimension_semantics<core_parallel>, #tpu.dimension_semantics<subcore_parallel>], iteration_bounds = array<i64: 2, 16>, scalar_prefetch = 0 : i64, scratch_operands = 6 : i64, tpu.core_type = #tpu.core_type<sc_vector_subcore>, window_params = [{transform_indices = #map}, {transform_indices = #map}]} {
    %mul3A = arith.constant 2 : i32
    %mul3A_0 = arith.muli %arg1, %mul3A : i32
    %add3A = arith.addi %mul3A_0, %arg0 : i32
    %mul3A_1 = arith.constant 393216 : i32
    %mul3A_2 = arith.muli %add3A, %mul3A_1 : i32
    %add3A_3 = arith.constant 0 : i32
    %add3A_4 = arith.addi %mul3A_2, %add3A_3 : i32
    %dma_start3A = tpu.memref_slice %arg2[%add3A_4] : memref<67108864xf32, #tpu.memory_space<hbm>> -> memref<32768xf32, #tpu.memory_space<hbm>>
    %dma_start3A_5 = tpu.memref_slice %arg2[%add3A_4] : memref<67108864xf32, #tpu.memory_space<hbm>> -> memref<32768xf32, #tpu.memory_space<hbm>>
    tpu.enqueue_dma source(%dma_start3A_5 : memref<32768xf32, #tpu.memory_space<hbm>>) target(%arg4 : memref<32768xf32, #tpu.memory_space<vmem>>) target_semaphore(%arg6 : memref<!tpu.dma_semaphore, #tpu.memory_space<semaphore_mem>>)
    %scan3A = arith.constant 0 : i32
    %scan3A_6 = arith.constant 6 : i32
    %scan3A_7 = arith.addi %scan3A, %scan3A_6 : i32
    %scan3A_8 = arith.constant 1 : i32
    scf.for %scan3A_17 = %scan3A to %scan3A_7 step %scan3A_8  : i32 {
      %mul3A_18 = arith.constant 2 : i32
      %mul3A_19 = arith.muli %scan3A_17, %mul3A_18 : i32
      %add3A_20 = arith.constant 0 : i32
      %add3A_21 = arith.addi %add3A_20, %mul3A_19 : i32
      %add3A_22 = arith.constant 0 : i32
      %add3A_23 = arith.addi %add3A_21, %add3A_22 : i32
      %add3A_24 = arith.constant 1 : i32
      %add3A_25 = arith.addi %add3A_23, %add3A_24 : i32
      %lt3A = arith.constant 12 : i32
      %lt3A_26 = arith.cmpi slt, %add3A_25, %lt3A : i32
      %convert_element_type3A = arith.extui %lt3A_26 : i1 to i32
      %cond3A = arith.constant 0 : i32
      %cond3A_27 = arith.cmpi ne, %convert_element_type3A, %cond3A : i32
      scf.if %cond3A_27 {
        %ge3A = arith.constant 1 : i32
        %ge3A_67 = arith.cmpi sge, %add3A_23, %ge3A : i32
        %convert_element_type3A_68 = arith.extui %ge3A_67 : i1 to i32
        %cond3A_69 = arith.constant 0 : i32
        %cond3A_70 = arith.cmpi ne, %convert_element_type3A_68, %cond3A_69 : i32
        scf.if %cond3A_70 {
          %sub3A = arith.constant 1 : i32
          %sub3A_78 = arith.subi %add3A_23, %sub3A : i32
          %mul3A_79 = arith.constant 32768 : i32
          %mul3A_80 = arith.muli %sub3A_78, %mul3A_79 : i32
          %add3A_81 = arith.addi %mul3A_2, %mul3A_80 : i32
          %dma_wait3A_82 = tpu.memref_slice %arg3[%add3A_81] : memref<12582912xf32, #tpu.memory_space<hbm>> -> memref<32768xf32, #tpu.memory_space<hbm>>
          %dma_wait3A_83 = tpu.memref_slice %arg3[%add3A_81] : memref<12582912xf32, #tpu.memory_space<hbm>> -> memref<32768xf32, #tpu.memory_space<hbm>>
          tpu.wait_dma2 semaphore(%arg9 : memref<!tpu.dma_semaphore, #tpu.memory_space<semaphore_mem>>) src(%arg5 : memref<32768xf32, #tpu.memory_space<vmem>>) dst(%dma_wait3A_83 : memref<32768xf32, #tpu.memory_space<hbm>>)
        } else {
        }
        %add3A_71 = arith.constant 1 : i32
        %add3A_72 = arith.addi %add3A_23, %add3A_71 : i32
        %mul3A_73 = arith.constant 32768 : i32
        %mul3A_74 = arith.muli %add3A_72, %mul3A_73 : i32
        %add3A_75 = arith.addi %mul3A_2, %mul3A_74 : i32
        %dma_start3A_76 = tpu.memref_slice %arg2[%add3A_75] : memref<67108864xf32, #tpu.memory_space<hbm>> -> memref<32768xf32, #tpu.memory_space<hbm>>
        %dma_start3A_77 = tpu.memref_slice %arg2[%add3A_75] : memref<67108864xf32, #tpu.memory_space<hbm>> -> memref<32768xf32, #tpu.memory_space<hbm>>
        tpu.enqueue_dma source(%dma_start3A_77 : memref<32768xf32, #tpu.memory_space<hbm>>) target(%arg5 : memref<32768xf32, #tpu.memory_space<vmem>>) target_semaphore(%arg7 : memref<!tpu.dma_semaphore, #tpu.memory_space<semaphore_mem>>)
      } else {
      }
      %mul3A_28 = arith.constant 32768 : i32
      %mul3A_29 = arith.muli %add3A_23, %mul3A_28 : i32
      %add3A_30 = arith.addi %mul3A_2, %mul3A_29 : i32
      %dma_wait3A_31 = tpu.memref_slice %arg2[%add3A_30] : memref<67108864xf32, #tpu.memory_space<hbm>> -> memref<32768xf32, #tpu.memory_space<hbm>>
      %dma_wait3A_32 = tpu.memref_slice %arg2[%add3A_30] : memref<67108864xf32, #tpu.memory_space<hbm>> -> memref<32768xf32, #tpu.memory_space<hbm>>
      tpu.wait_dma2 semaphore(%arg6 : memref<!tpu.dma_semaphore, #tpu.memory_space<semaphore_mem>>) src(%dma_wait3A_32 : memref<32768xf32, #tpu.memory_space<hbm>>) dst(%arg4 : memref<32768xf32, #tpu.memory_space<vmem>>)
      %scan3A_33 = arith.constant 0 : i32
      %scan3A_34 = arith.constant 2048 : i32
      %scan3A_35 = arith.addi %scan3A_33, %scan3A_34 : i32
      %scan3A_36 = arith.constant 8 : i32
      scf.for %scan3A_67 = %scan3A_33 to %scan3A_35 step %scan3A_36  : i32 {
        %mul3A_68 = arith.constant 16 : i32
        %mul3A_69 = arith.muli %scan3A_67, %mul3A_68 : i32
        %add3A_70 = arith.constant 0 : i32
        %add3A_71 = arith.addi %add3A_70, %mul3A_69 : i32
        %get3A = arith.index_cast %add3A_71 : i32 to index
        %get3A_72 = tpu.vector_load %arg4[%get3A] {strides = array<i32>} : memref<32768xf32, #tpu.memory_space<vmem>>, vector<16xf32>,
        %get3A_73 = vector.shape_cast %get3A_72 : vector<16xf32> to vector<16xf32>
        %max3A = arith.constant 0.000000e+00 : f32
        %max3A_74 = vector.broadcast %max3A : f32 to vector<16xf32>
        %max3A_75 = arith.maximumf %get3A_73, %max3A_74 : vector<16xf32>
        %min3A = arith.constant 1.000000e+00 : f32
        %min3A_76 = vector.broadcast %min3A : f32 to vector<16xf32>
        %min3A_77 = arith.minimumf %max3A_75, %min3A_76 : vector<16xf32>
        %swap3A = arith.index_cast %add3A_71 : i32 to index
        %swap3A_78 = tpu.vector_load %arg4[%swap3A] {strides = array<i32>} : memref<32768xf32, #tpu.memory_space<vmem>>, vector<16xf32>,
        %swap3A_79 = vector.shape_cast %swap3A_78 : vector<16xf32> to vector<16xf32>
        %swap3A_80 = vector.shape_cast %min3A_77 : vector<16xf32> to vector<16xf32>
        tpu.vector_store %arg4[%swap3A], %swap3A_80 {strides = array<i32>} : memref<32768xf32, #tpu.memory_space<vmem>>, vector<16xf32>,
        %scan3A_81 = arith.constant 1 : i32
        %scan3A_82 = arith.addi %scan3A_67, %scan3A_81 : i32
        %mul3A_83 = arith.constant 16 : i32
        %mul3A_84 = arith.muli %scan3A_82, %mul3A_83 : i32
        %add3A_85 = arith.constant 0 : i32
        %add3A_86 = arith.addi %add3A_85, %mul3A_84 : i32
        %get3A_87 = arith.index_cast %add3A_86 : i32 to index
        %get3A_88 = tpu.vector_load %arg4[%get3A_87] {strides = array<i32>} : memref<32768xf32, #tpu.memory_space<vmem>>, vector<16xf32>,
        %get3A_89 = vector.shape_cast %get3A_88 : vector<16xf32> to vector<16xf32>
        %max3A_90 = arith.constant 0.000000e+00 : f32
        %max3A_91 = vector.broadcast %max3A_90 : f32 to vector<16xf32>
        %max3A_92 = arith.maximumf %get3A_89, %max3A_91 : vector<16xf32>
        %min3A_93 = arith.constant 1.000000e+00 : f32
        %min3A_94 = vector.broadcast %min3A_93 : f32 to vector<16xf32>
        %min3A_95 = arith.minimumf %max3A_92, %min3A_94 : vector<16xf32>
        %swap3A_96 = arith.index_cast %add3A_86 : i32 to index
        %swap3A_97 = tpu.vector_load %arg4[%swap3A_96] {strides = array<i32>} : memref<32768xf32, #tpu.memory_space<vmem>>, vector<16xf32>,
        %swap3A_98 = vector.shape_cast %swap3A_97 : vector<16xf32> to vector<16xf32>
        %swap3A_99 = vector.shape_cast %min3A_95 : vector<16xf32> to vector<16xf32>
        tpu.vector_store %arg4[%swap3A_96], %swap3A_99 {strides = array<i32>} : memref<32768xf32, #tpu.memory_space<vmem>>, vector<16xf32>,
        %scan3A_100 = arith.constant 2 : i32
        %scan3A_101 = arith.addi %scan3A_67, %scan3A_100 : i32
        %mul3A_102 = arith.constant 16 : i32
        %mul3A_103 = arith.muli %scan3A_101, %mul3A_102 : i32
        %add3A_104 = arith.constant 0 : i32
        %add3A_105 = arith.addi %add3A_104, %mul3A_103 : i32
        %get3A_106 = arith.index_cast %add3A_105 : i32 to index
        %get3A_107 = tpu.vector_load %arg4[%get3A_106] {strides = array<i32>} : memref<32768xf32, #tpu.memory_space<vmem>>, vector<16xf32>,
        %get3A_108 = vector.shape_cast %get3A_107 : vector<16xf32> to vector<16xf32>
        %max3A_109 = arith.constant 0.000000e+00 : f32
        %max3A_110 = vector.broadcast %max3A_109 : f32 to vector<16xf32>
        %max3A_111 = arith.maximumf %get3A_108, %max3A_110 : vector<16xf32>
        %min3A_112 = arith.constant 1.000000e+00 : f32
        %min3A_113 = vector.broadcast %min3A_112 : f32 to vector<16xf32>
        %min3A_114 = arith.minimumf %max3A_111, %min3A_113 : vector<16xf32>
        %swap3A_115 = arith.index_cast %add3A_105 : i32 to index
        %swap3A_116 = tpu.vector_load %arg4[%swap3A_115] {strides = array<i32>} : memref<32768xf32, #tpu.memory_space<vmem>>, vector<16xf32>,
        %swap3A_117 = vector.shape_cast %swap3A_116 : vector<16xf32> to vector<16xf32>
        %swap3A_118 = vector.shape_cast %min3A_114 : vector<16xf32> to vector<16xf32>
        tpu.vector_store %arg4[%swap3A_115], %swap3A_118 {strides = array<i32>} : memref<32768xf32, #tpu.memory_space<vmem>>, vector<16xf32>,
        %scan3A_119 = arith.constant 3 : i32
        %scan3A_120 = arith.addi %scan3A_67, %scan3A_119 : i32
        %mul3A_121 = arith.constant 16 : i32
        %mul3A_122 = arith.muli %scan3A_120, %mul3A_121 : i32
        %add3A_123 = arith.constant 0 : i32
        %add3A_124 = arith.addi %add3A_123, %mul3A_122 : i32
        %get3A_125 = arith.index_cast %add3A_124 : i32 to index
        %get3A_126 = tpu.vector_load %arg4[%get3A_125] {strides = array<i32>} : memref<32768xf32, #tpu.memory_space<vmem>>, vector<16xf32>,
        %get3A_127 = vector.shape_cast %get3A_126 : vector<16xf32> to vector<16xf32>
        %max3A_128 = arith.constant 0.000000e+00 : f32
        %max3A_129 = vector.broadcast %max3A_128 : f32 to vector<16xf32>
        %max3A_130 = arith.maximumf %get3A_127, %max3A_129 : vector<16xf32>
        %min3A_131 = arith.constant 1.000000e+00 : f32
        %min3A_132 = vector.broadcast %min3A_131 : f32 to vector<16xf32>
        %min3A_133 = arith.minimumf %max3A_130, %min3A_132 : vector<16xf32>
        %swap3A_134 = arith.index_cast %add3A_124 : i32 to index
        %swap3A_135 = tpu.vector_load %arg4[%swap3A_134] {strides = array<i32>} : memref<32768xf32, #tpu.memory_space<vmem>>, vector<16xf32>,
        %swap3A_136 = vector.shape_cast %swap3A_135 : vector<16xf32> to vector<16xf32>
        %swap3A_137 = vector.shape_cast %min3A_133 : vector<16xf32> to vector<16xf32>
        tpu.vector_store %arg4[%swap3A_134], %swap3A_137 {strides = array<i32>} : memref<32768xf32, #tpu.memory_space<vmem>>, vector<16xf32>,
        %scan3A_138 = arith.constant 4 : i32
        %scan3A_139 = arith.addi %scan3A_67, %scan3A_138 : i32
        %mul3A_140 = arith.constant 16 : i32
        %mul3A_141 = arith.muli %scan3A_139, %mul3A_140 : i32
        %add3A_142 = arith.constant 0 : i32
        %add3A_143 = arith.addi %add3A_142, %mul3A_141 : i32
        %get3A_144 = arith.index_cast %add3A_143 : i32 to index
        %get3A_145 = tpu.vector_load %arg4[%get3A_144] {strides = array<i32>} : memref<32768xf32, #tpu.memory_space<vmem>>, vector<16xf32>,
        %get3A_146 = vector.shape_cast %get3A_145 : vector<16xf32> to vector<16xf32>
        %max3A_147 = arith.constant 0.000000e+00 : f32
        %max3A_148 = vector.broadcast %max3A_147 : f32 to vector<16xf32>
        %max3A_149 = arith.maximumf %get3A_146, %max3A_148 : vector<16xf32>
        %min3A_150 = arith.constant 1.000000e+00 : f32
        %min3A_151 = vector.broadcast %min3A_150 : f32 to vector<16xf32>
        %min3A_152 = arith.minimumf %max3A_149, %min3A_151 : vector<16xf32>
        %swap3A_153 = arith.index_cast %add3A_143 : i32 to index
        %swap3A_154 = tpu.vector_load %arg4[%swap3A_153] {strides = array<i32>} : memref<32768xf32, #tpu.memory_space<vmem>>, vector<16xf32>,
        %swap3A_155 = vector.shape_cast %swap3A_154 : vector<16xf32> to vector<16xf32>
        %swap3A_156 = vector.shape_cast %min3A_152 : vector<16xf32> to vector<16xf32>
        tpu.vector_store %arg4[%swap3A_153], %swap3A_156 {strides = array<i32>} : memref<32768xf32, #tpu.memory_space<vmem>>, vector<16xf32>,
        %scan3A_157 = arith.constant 5 : i32
        %scan3A_158 = arith.addi %scan3A_67, %scan3A_157 : i32
        %mul3A_159 = arith.constant 16 : i32
        %mul3A_160 = arith.muli %scan3A_158, %mul3A_159 : i32
        %add3A_161 = arith.constant 0 : i32
        %add3A_162 = arith.addi %add3A_161, %mul3A_160 : i32
        %get3A_163 = arith.index_cast %add3A_162 : i32 to index
        %get3A_164 = tpu.vector_load %arg4[%get3A_163] {strides = array<i32>} : memref<32768xf32, #tpu.memory_space<vmem>>, vector<16xf32>,
        %get3A_165 = vector.shape_cast %get3A_164 : vector<16xf32> to vector<16xf32>
        %max3A_166 = arith.constant 0.000000e+00 : f32
        %max3A_167 = vector.broadcast %max3A_166 : f32 to vector<16xf32>
        %max3A_168 = arith.maximumf %get3A_165, %max3A_167 : vector<16xf32>
        %min3A_169 = arith.constant 1.000000e+00 : f32
        %min3A_170 = vector.broadcast %min3A_169 : f32 to vector<16xf32>
        %min3A_171 = arith.minimumf %max3A_168, %min3A_170 : vector<16xf32>
        %swap3A_172 = arith.index_cast %add3A_162 : i32 to index
        %swap3A_173 = tpu.vector_load %arg4[%swap3A_172] {strides = array<i32>} : memref<32768xf32, #tpu.memory_space<vmem>>, vector<16xf32>,
        %swap3A_174 = vector.shape_cast %swap3A_173 : vector<16xf32> to vector<16xf32>
        %swap3A_175 = vector.shape_cast %min3A_171 : vector<16xf32> to vector<16xf32>
        tpu.vector_store %arg4[%swap3A_172], %swap3A_175 {strides = array<i32>} : memref<32768xf32, #tpu.memory_space<vmem>>, vector<16xf32>,
        %scan3A_176 = arith.constant 6 : i32
        %scan3A_177 = arith.addi %scan3A_67, %scan3A_176 : i32
        %mul3A_178 = arith.constant 16 : i32
        %mul3A_179 = arith.muli %scan3A_177, %mul3A_178 : i32
        %add3A_180 = arith.constant 0 : i32
        %add3A_181 = arith.addi %add3A_180, %mul3A_179 : i32
        %get3A_182 = arith.index_cast %add3A_181 : i32 to index
        %get3A_183 = tpu.vector_load %arg4[%get3A_182] {strides = array<i32>} : memref<32768xf32, #tpu.memory_space<vmem>>, vector<16xf32>,
        %get3A_184 = vector.shape_cast %get3A_183 : vector<16xf32> to vector<16xf32>
        %max3A_185 = arith.constant 0.000000e+00 : f32
        %max3A_186 = vector.broadcast %max3A_185 : f32 to vector<16xf32>
        %max3A_187 = arith.maximumf %get3A_184, %max3A_186 : vector<16xf32>
        %min3A_188 = arith.constant 1.000000e+00 : f32
        %min3A_189 = vector.broadcast %min3A_188 : f32 to vector<16xf32>
        %min3A_190 = arith.minimumf %max3A_187, %min3A_189 : vector<16xf32>
        %swap3A_191 = arith.index_cast %add3A_181 : i32 to index
        %swap3A_192 = tpu.vector_load %arg4[%swap3A_191] {strides = array<i32>} : memref<32768xf32, #tpu.memory_space<vmem>>, vector<16xf32>,
        %swap3A_193 = vector.shape_cast %swap3A_192 : vector<16xf32> to vector<16xf32>
        %swap3A_194 = vector.shape_cast %min3A_190 : vector<16xf32> to vector<16xf32>
        tpu.vector_store %arg4[%swap3A_191], %swap3A_194 {strides = array<i32>} : memref<32768xf32, #tpu.memory_space<vmem>>, vector<16xf32>,
        %scan3A_195 = arith.constant 7 : i32
        %scan3A_196 = arith.addi %scan3A_67, %scan3A_195 : i32
        %mul3A_197 = arith.constant 16 : i32
        %mul3A_198 = arith.muli %scan3A_196, %mul3A_197 : i32
        %add3A_199 = arith.constant 0 : i32
        %add3A_200 = arith.addi %add3A_199, %mul3A_198 : i32
        %get3A_201 = arith.index_cast %add3A_200 : i32 to index
        %get3A_202 = tpu.vector_load %arg4[%get3A_201] {strides = array<i32>} : memref<32768xf32, #tpu.memory_space<vmem>>, vector<16xf32>,
        %get3A_203 = vector.shape_cast %get3A_202 : vector<16xf32> to vector<16xf32>
        %max3A_204 = arith.constant 0.000000e+00 : f32
        %max3A_205 = vector.broadcast %max3A_204 : f32 to vector<16xf32>
        %max3A_206 = arith.maximumf %get3A_203, %max3A_205 : vector<16xf32>
        %min3A_207 = arith.constant 1.000000e+00 : f32
        %min3A_208 = vector.broadcast %min3A_207 : f32 to vector<16xf32>
        %min3A_209 = arith.minimumf %max3A_206, %min3A_208 : vector<16xf32>
        %swap3A_210 = arith.index_cast %add3A_200 : i32 to index
        %swap3A_211 = tpu.vector_load %arg4[%swap3A_210] {strides = array<i32>} : memref<32768xf32, #tpu.memory_space<vmem>>, vector<16xf32>,
        %swap3A_212 = vector.shape_cast %swap3A_211 : vector<16xf32> to vector<16xf32>
        %swap3A_213 = vector.shape_cast %min3A_209 : vector<16xf32> to vector<16xf32>
        tpu.vector_store %arg4[%swap3A_210], %swap3A_213 {strides = array<i32>} : memref<32768xf32, #tpu.memory_space<vmem>>, vector<16xf32>,
      }
      %scan3A_37 = arith.constant 2048 : i32
      %mul3A_38 = arith.constant 32768 : i32
      %mul3A_39 = arith.muli %add3A_23, %mul3A_38 : i32
      %add3A_40 = arith.addi %mul3A_2, %mul3A_39 : i32
      %dma_start3A_41 = tpu.memref_slice %arg3[%add3A_40] : memref<12582912xf32, #tpu.memory_space<hbm>> -> memref<32768xf32, #tpu.memory_space<hbm>>
      %dma_start3A_42 = tpu.memref_slice %arg3[%add3A_40] : memref<12582912xf32, #tpu.memory_space<hbm>> -> memref<32768xf32, #tpu.memory_space<hbm>>
      tpu.enqueue_dma source(%arg4 : memref<32768xf32, #tpu.memory_space<vmem>>) target(%dma_start3A_42 : memref<32768xf32, #tpu.memory_space<hbm>>) target_semaphore(%arg8 : memref<!tpu.dma_semaphore, #tpu.memory_space<semaphore_mem>>)
      %add3A_43 = arith.constant 1 : i32
      %add3A_44 = arith.addi %add3A_21, %add3A_43 : i32
      %add3A_45 = arith.constant 1 : i32
      %add3A_46 = arith.addi %add3A_44, %add3A_45 : i32
      %lt3A_47 = arith.constant 12 : i32
      %lt3A_48 = arith.cmpi slt, %add3A_46, %lt3A_47 : i32
      %convert_element_type3A_49 = arith.extui %lt3A_48 : i1 to i32
      %cond3A_50 = arith.constant 0 : i32
      %cond3A_51 = arith.cmpi ne, %convert_element_type3A_49, %cond3A_50 : i32
      scf.if %cond3A_51 {
        %ge3A = arith.constant 1 : i32
        %ge3A_67 = arith.cmpi sge, %add3A_44, %ge3A : i32
        %convert_element_type3A_68 = arith.extui %ge3A_67 : i1 to i32
        %cond3A_69 = arith.constant 0 : i32
        %cond3A_70 = arith.cmpi ne, %convert_element_type3A_68, %cond3A_69 : i32
        scf.if %cond3A_70 {
          %sub3A = arith.constant 1 : i32
          %sub3A_78 = arith.subi %add3A_44, %sub3A : i32
          %mul3A_79 = arith.constant 32768 : i32
          %mul3A_80 = arith.muli %sub3A_78, %mul3A_79 : i32
          %add3A_81 = arith.addi %mul3A_2, %mul3A_80 : i32
          %dma_wait3A_82 = tpu.memref_slice %arg3[%add3A_81] : memref<12582912xf32, #tpu.memory_space<hbm>> -> memref<32768xf32, #tpu.memory_space<hbm>>
          %dma_wait3A_83 = tpu.memref_slice %arg3[%add3A_81] : memref<12582912xf32, #tpu.memory_space<hbm>> -> memref<32768xf32, #tpu.memory_space<hbm>>
          tpu.wait_dma2 semaphore(%arg8 : memref<!tpu.dma_semaphore, #tpu.memory_space<semaphore_mem>>) src(%arg4 : memref<32768xf32, #tpu.memory_space<vmem>>) dst(%dma_wait3A_83 : memref<32768xf32, #tpu.memory_space<hbm>>)
        } else {
        }
        %add3A_71 = arith.constant 1 : i32
        %add3A_72 = arith.addi %add3A_44, %add3A_71 : i32
        %mul3A_73 = arith.constant 32768 : i32
        %mul3A_74 = arith.muli %add3A_72, %mul3A_73 : i32
        %add3A_75 = arith.addi %mul3A_2, %mul3A_74 : i32
        %dma_start3A_76 = tpu.memref_slice %arg2[%add3A_75] : memref<67108864xf32, #tpu.memory_space<hbm>> -> memref<32768xf32, #tpu.memory_space<hbm>>
        %dma_start3A_77 = tpu.memref_slice %arg2[%add3A_75] : memref<67108864xf32, #tpu.memory_space<hbm>> -> memref<32768xf32, #tpu.memory_space<hbm>>
        tpu.enqueue_dma source(%dma_start3A_77 : memref<32768xf32, #tpu.memory_space<hbm>>) target(%arg4 : memref<32768xf32, #tpu.memory_space<vmem>>) target_semaphore(%arg6 : memref<!tpu.dma_semaphore, #tpu.memory_space<semaphore_mem>>)
      } else {
      }
      %mul3A_52 = arith.constant 32768 : i32
      %mul3A_53 = arith.muli %add3A_44, %mul3A_52 : i32
      %add3A_54 = arith.addi %mul3A_2, %mul3A_53 : i32
      %dma_wait3A_55 = tpu.memref_slice %arg2[%add3A_54] : memref<67108864xf32, #tpu.memory_space<hbm>> -> memref<32768xf32, #tpu.memory_space<hbm>>
      %dma_wait3A_56 = tpu.memref_slice %arg2[%add3A_54] : memref<67108864xf32, #tpu.memory_space<hbm>> -> memref<32768xf32, #tpu.memory_space<hbm>>
      tpu.wait_dma2 semaphore(%arg7 : memref<!tpu.dma_semaphore, #tpu.memory_space<semaphore_mem>>) src(%dma_wait3A_56 : memref<32768xf32, #tpu.memory_space<hbm>>) dst(%arg5 : memref<32768xf32, #tpu.memory_space<vmem>>)
      %scan3A_57 = arith.constant 0 : i32
      %scan3A_58 = arith.constant 2048 : i32
      %scan3A_59 = arith.addi %scan3A_57, %scan3A_58 : i32
      %scan3A_60 = arith.constant 8 : i32
      scf.for %scan3A_67 = %scan3A_57 to %scan3A_59 step %scan3A_60  : i32 {
        %mul3A_68 = arith.constant 16 : i32
        %mul3A_69 = arith.muli %scan3A_67, %mul3A_68 : i32
        %add3A_70 = arith.constant 0 : i32
        %add3A_71 = arith.addi %add3A_70, %mul3A_69 : i32
        %get3A = arith.index_cast %add3A_71 : i32 to index
        %get3A_72 = tpu.vector_load %arg5[%get3A] {strides = array<i32>} : memref<32768xf32, #tpu.memory_space<vmem>>, vector<16xf32>,
        %get3A_73 = vector.shape_cast %get3A_72 : vector<16xf32> to vector<16xf32>
        %max3A = arith.constant 0.000000e+00 : f32
        %max3A_74 = vector.broadcast %max3A : f32 to vector<16xf32>
        %max3A_75 = arith.maximumf %get3A_73, %max3A_74 : vector<16xf32>
        %min3A = arith.constant 1.000000e+00 : f32
        %min3A_76 = vector.broadcast %min3A : f32 to vector<16xf32>
        %min3A_77 = arith.minimumf %max3A_75, %min3A_76 : vector<16xf32>
        %swap3A = arith.index_cast %add3A_71 : i32 to index
        %swap3A_78 = tpu.vector_load %arg5[%swap3A] {strides = array<i32>} : memref<32768xf32, #tpu.memory_space<vmem>>, vector<16xf32>,
        %swap3A_79 = vector.shape_cast %swap3A_78 : vector<16xf32> to vector<16xf32>
        %swap3A_80 = vector.shape_cast %min3A_77 : vector<16xf32> to vector<16xf32>
        tpu.vector_store %arg5[%swap3A], %swap3A_80 {strides = array<i32>} : memref<32768xf32, #tpu.memory_space<vmem>>, vector<16xf32>,
        %scan3A_81 = arith.constant 1 : i32
        %scan3A_82 = arith.addi %scan3A_67, %scan3A_81 : i32
        %mul3A_83 = arith.constant 16 : i32
        %mul3A_84 = arith.muli %scan3A_82, %mul3A_83 : i32
        %add3A_85 = arith.constant 0 : i32
        %add3A_86 = arith.addi %add3A_85, %mul3A_84 : i32
        %get3A_87 = arith.index_cast %add3A_86 : i32 to index
        %get3A_88 = tpu.vector_load %arg5[%get3A_87] {strides = array<i32>} : memref<32768xf32, #tpu.memory_space<vmem>>, vector<16xf32>,
        %get3A_89 = vector.shape_cast %get3A_88 : vector<16xf32> to vector<16xf32>
        %max3A_90 = arith.constant 0.000000e+00 : f32
        %max3A_91 = vector.broadcast %max3A_90 : f32 to vector<16xf32>
        %max3A_92 = arith.maximumf %get3A_89, %max3A_91 : vector<16xf32>
        %min3A_93 = arith.constant 1.000000e+00 : f32
        %min3A_94 = vector.broadcast %min3A_93 : f32 to vector<16xf32>
        %min3A_95 = arith.minimumf %max3A_92, %min3A_94 : vector<16xf32>
        %swap3A_96 = arith.index_cast %add3A_86 : i32 to index
        %swap3A_97 = tpu.vector_load %arg5[%swap3A_96] {strides = array<i32>} : memref<32768xf32, #tpu.memory_space<vmem>>, vector<16xf32>,
        %swap3A_98 = vector.shape_cast %swap3A_97 : vector<16xf32> to vector<16xf32>
        %swap3A_99 = vector.shape_cast %min3A_95 : vector<16xf32> to vector<16xf32>
        tpu.vector_store %arg5[%swap3A_96], %swap3A_99 {strides = array<i32>} : memref<32768xf32, #tpu.memory_space<vmem>>, vector<16xf32>,
        %scan3A_100 = arith.constant 2 : i32
        %scan3A_101 = arith.addi %scan3A_67, %scan3A_100 : i32
        %mul3A_102 = arith.constant 16 : i32
        %mul3A_103 = arith.muli %scan3A_101, %mul3A_102 : i32
        %add3A_104 = arith.constant 0 : i32
        %add3A_105 = arith.addi %add3A_104, %mul3A_103 : i32
        %get3A_106 = arith.index_cast %add3A_105 : i32 to index
        %get3A_107 = tpu.vector_load %arg5[%get3A_106] {strides = array<i32>} : memref<32768xf32, #tpu.memory_space<vmem>>, vector<16xf32>,
        %get3A_108 = vector.shape_cast %get3A_107 : vector<16xf32> to vector<16xf32>
        %max3A_109 = arith.constant 0.000000e+00 : f32
        %max3A_110 = vector.broadcast %max3A_109 : f32 to vector<16xf32>
        %max3A_111 = arith.maximumf %get3A_108, %max3A_110 : vector<16xf32>
        %min3A_112 = arith.constant 1.000000e+00 : f32
        %min3A_113 = vector.broadcast %min3A_112 : f32 to vector<16xf32>
        %min3A_114 = arith.minimumf %max3A_111, %min3A_113 : vector<16xf32>
        %swap3A_115 = arith.index_cast %add3A_105 : i32 to index
        %swap3A_116 = tpu.vector_load %arg5[%swap3A_115] {strides = array<i32>} : memref<32768xf32, #tpu.memory_space<vmem>>, vector<16xf32>,
        %swap3A_117 = vector.shape_cast %swap3A_116 : vector<16xf32> to vector<16xf32>
        %swap3A_118 = vector.shape_cast %min3A_114 : vector<16xf32> to vector<16xf32>
        tpu.vector_store %arg5[%swap3A_115], %swap3A_118 {strides = array<i32>} : memref<32768xf32, #tpu.memory_space<vmem>>, vector<16xf32>,
        %scan3A_119 = arith.constant 3 : i32
        %scan3A_120 = arith.addi %scan3A_67, %scan3A_119 : i32
        %mul3A_121 = arith.constant 16 : i32
        %mul3A_122 = arith.muli %scan3A_120, %mul3A_121 : i32
        %add3A_123 = arith.constant 0 : i32
        %add3A_124 = arith.addi %add3A_123, %mul3A_122 : i32
        %get3A_125 = arith.index_cast %add3A_124 : i32 to index
        %get3A_126 = tpu.vector_load %arg5[%get3A_125] {strides = array<i32>} : memref<32768xf32, #tpu.memory_space<vmem>>, vector<16xf32>,
        %get3A_127 = vector.shape_cast %get3A_126 : vector<16xf32> to vector<16xf32>
        %max3A_128 = arith.constant 0.000000e+00 : f32
        %max3A_129 = vector.broadcast %max3A_128 : f32 to vector<16xf32>
        %max3A_130 = arith.maximumf %get3A_127, %max3A_129 : vector<16xf32>
        %min3A_131 = arith.constant 1.000000e+00 : f32
        %min3A_132 = vector.broadcast %min3A_131 : f32 to vector<16xf32>
        %min3A_133 = arith.minimumf %max3A_130, %min3A_132 : vector<16xf32>
        %swap3A_134 = arith.index_cast %add3A_124 : i32 to index
        %swap3A_135 = tpu.vector_load %arg5[%swap3A_134] {strides = array<i32>} : memref<32768xf32, #tpu.memory_space<vmem>>, vector<16xf32>,
        %swap3A_136 = vector.shape_cast %swap3A_135 : vector<16xf32> to vector<16xf32>
        %swap3A_137 = vector.shape_cast %min3A_133 : vector<16xf32> to vector<16xf32>
        tpu.vector_store %arg5[%swap3A_134], %swap3A_137 {strides = array<i32>} : memref<32768xf32, #tpu.memory_space<vmem>>, vector<16xf32>,
        %scan3A_138 = arith.constant 4 : i32
        %scan3A_139 = arith.addi %scan3A_67, %scan3A_138 : i32
        %mul3A_140 = arith.constant 16 : i32
        %mul3A_141 = arith.muli %scan3A_139, %mul3A_140 : i32
        %add3A_142 = arith.constant 0 : i32
        %add3A_143 = arith.addi %add3A_142, %mul3A_141 : i32
        %get3A_144 = arith.index_cast %add3A_143 : i32 to index
        %get3A_145 = tpu.vector_load %arg5[%get3A_144] {strides = array<i32>} : memref<32768xf32, #tpu.memory_space<vmem>>, vector<16xf32>,
        %get3A_146 = vector.shape_cast %get3A_145 : vector<16xf32> to vector<16xf32>
        %max3A_147 = arith.constant 0.000000e+00 : f32
        %max3A_148 = vector.broadcast %max3A_147 : f32 to vector<16xf32>
        %max3A_149 = arith.maximumf %get3A_146, %max3A_148 : vector<16xf32>
        %min3A_150 = arith.constant 1.000000e+00 : f32
        %min3A_151 = vector.broadcast %min3A_150 : f32 to vector<16xf32>
        %min3A_152 = arith.minimumf %max3A_149, %min3A_151 : vector<16xf32>
        %swap3A_153 = arith.index_cast %add3A_143 : i32 to index
        %swap3A_154 = tpu.vector_load %arg5[%swap3A_153] {strides = array<i32>} : memref<32768xf32, #tpu.memory_space<vmem>>, vector<16xf32>,
        %swap3A_155 = vector.shape_cast %swap3A_154 : vector<16xf32> to vector<16xf32>
        %swap3A_156 = vector.shape_cast %min3A_152 : vector<16xf32> to vector<16xf32>
        tpu.vector_store %arg5[%swap3A_153], %swap3A_156 {strides = array<i32>} : memref<32768xf32, #tpu.memory_space<vmem>>, vector<16xf32>,
        %scan3A_157 = arith.constant 5 : i32
        %scan3A_158 = arith.addi %scan3A_67, %scan3A_157 : i32
        %mul3A_159 = arith.constant 16 : i32
        %mul3A_160 = arith.muli %scan3A_158, %mul3A_159 : i32
        %add3A_161 = arith.constant 0 : i32
        %add3A_162 = arith.addi %add3A_161, %mul3A_160 : i32
        %get3A_163 = arith.index_cast %add3A_162 : i32 to index
        %get3A_164 = tpu.vector_load %arg5[%get3A_163] {strides = array<i32>} : memref<32768xf32, #tpu.memory_space<vmem>>, vector<16xf32>,
        %get3A_165 = vector.shape_cast %get3A_164 : vector<16xf32> to vector<16xf32>
        %max3A_166 = arith.constant 0.000000e+00 : f32
        %max3A_167 = vector.broadcast %max3A_166 : f32 to vector<16xf32>
        %max3A_168 = arith.maximumf %get3A_165, %max3A_167 : vector<16xf32>
        %min3A_169 = arith.constant 1.000000e+00 : f32
        %min3A_170 = vector.broadcast %min3A_169 : f32 to vector<16xf32>
        %min3A_171 = arith.minimumf %max3A_168, %min3A_170 : vector<16xf32>
        %swap3A_172 = arith.index_cast %add3A_162 : i32 to index
        %swap3A_173 = tpu.vector_load %arg5[%swap3A_172] {strides = array<i32>} : memref<32768xf32, #tpu.memory_space<vmem>>, vector<16xf32>,
        %swap3A_174 = vector.shape_cast %swap3A_173 : vector<16xf32> to vector<16xf32>
        %swap3A_175 = vector.shape_cast %min3A_171 : vector<16xf32> to vector<16xf32>
        tpu.vector_store %arg5[%swap3A_172], %swap3A_175 {strides = array<i32>} : memref<32768xf32, #tpu.memory_space<vmem>>, vector<16xf32>,
        %scan3A_176 = arith.constant 6 : i32
        %scan3A_177 = arith.addi %scan3A_67, %scan3A_176 : i32
        %mul3A_178 = arith.constant 16 : i32
        %mul3A_179 = arith.muli %scan3A_177, %mul3A_178 : i32
        %add3A_180 = arith.constant 0 : i32
        %add3A_181 = arith.addi %add3A_180, %mul3A_179 : i32
        %get3A_182 = arith.index_cast %add3A_181 : i32 to index
        %get3A_183 = tpu.vector_load %arg5[%get3A_182] {strides = array<i32>} : memref<32768xf32, #tpu.memory_space<vmem>>, vector<16xf32>,
        %get3A_184 = vector.shape_cast %get3A_183 : vector<16xf32> to vector<16xf32>
        %max3A_185 = arith.constant 0.000000e+00 : f32
        %max3A_186 = vector.broadcast %max3A_185 : f32 to vector<16xf32>
        %max3A_187 = arith.maximumf %get3A_184, %max3A_186 : vector<16xf32>
        %min3A_188 = arith.constant 1.000000e+00 : f32
        %min3A_189 = vector.broadcast %min3A_188 : f32 to vector<16xf32>
        %min3A_190 = arith.minimumf %max3A_187, %min3A_189 : vector<16xf32>
        %swap3A_191 = arith.index_cast %add3A_181 : i32 to index
        %swap3A_192 = tpu.vector_load %arg5[%swap3A_191] {strides = array<i32>} : memref<32768xf32, #tpu.memory_space<vmem>>, vector<16xf32>,
        %swap3A_193 = vector.shape_cast %swap3A_192 : vector<16xf32> to vector<16xf32>
        %swap3A_194 = vector.shape_cast %min3A_190 : vector<16xf32> to vector<16xf32>
        tpu.vector_store %arg5[%swap3A_191], %swap3A_194 {strides = array<i32>} : memref<32768xf32, #tpu.memory_space<vmem>>, vector<16xf32>,
        %scan3A_195 = arith.constant 7 : i32
        %scan3A_196 = arith.addi %scan3A_67, %scan3A_195 : i32
        %mul3A_197 = arith.constant 16 : i32
        %mul3A_198 = arith.muli %scan3A_196, %mul3A_197 : i32
        %add3A_199 = arith.constant 0 : i32
        %add3A_200 = arith.addi %add3A_199, %mul3A_198 : i32
        %get3A_201 = arith.index_cast %add3A_200 : i32 to index
        %get3A_202 = tpu.vector_load %arg5[%get3A_201] {strides = array<i32>} : memref<32768xf32, #tpu.memory_space<vmem>>, vector<16xf32>,
        %get3A_203 = vector.shape_cast %get3A_202 : vector<16xf32> to vector<16xf32>
        %max3A_204 = arith.constant 0.000000e+00 : f32
        %max3A_205 = vector.broadcast %max3A_204 : f32 to vector<16xf32>
        %max3A_206 = arith.maximumf %get3A_203, %max3A_205 : vector<16xf32>
        %min3A_207 = arith.constant 1.000000e+00 : f32
        %min3A_208 = vector.broadcast %min3A_207 : f32 to vector<16xf32>
        %min3A_209 = arith.minimumf %max3A_206, %min3A_208 : vector<16xf32>
        %swap3A_210 = arith.index_cast %add3A_200 : i32 to index
        %swap3A_211 = tpu.vector_load %arg5[%swap3A_210] {strides = array<i32>} : memref<32768xf32, #tpu.memory_space<vmem>>, vector<16xf32>,
        %swap3A_212 = vector.shape_cast %swap3A_211 : vector<16xf32> to vector<16xf32>
        %swap3A_213 = vector.shape_cast %min3A_209 : vector<16xf32> to vector<16xf32>
        tpu.vector_store %arg5[%swap3A_210], %swap3A_213 {strides = array<i32>} : memref<32768xf32, #tpu.memory_space<vmem>>, vector<16xf32>,
      }
      %scan3A_61 = arith.constant 2048 : i32
      %mul3A_62 = arith.constant 32768 : i32
      %mul3A_63 = arith.muli %add3A_44, %mul3A_62 : i32
      %add3A_64 = arith.addi %mul3A_2, %mul3A_63 : i32
      %dma_start3A_65 = tpu.memref_slice %arg3[%add3A_64] : memref<12582912xf32, #tpu.memory_space<hbm>> -> memref<32768xf32, #tpu.memory_space<hbm>>
      %dma_start3A_66 = tpu.memref_slice %arg3[%add3A_64] : memref<12582912xf32, #tpu.memory_space<hbm>> -> memref<32768xf32, #tpu.memory_space<hbm>>
      tpu.enqueue_dma source(%arg5 : memref<32768xf32, #tpu.memory_space<vmem>>) target(%dma_start3A_66 : memref<32768xf32, #tpu.memory_space<hbm>>) target_semaphore(%arg9 : memref<!tpu.dma_semaphore, #tpu.memory_space<semaphore_mem>>)
    }
    %scan3A_9 = arith.constant 6 : i32
    %add3A_10 = arith.constant 0 : i32
    %add3A_11 = arith.addi %mul3A_2, %add3A_10 : i32
    %dma_wait3A = tpu.memref_slice %arg3[%add3A_11] : memref<12582912xf32, #tpu.memory_space<hbm>> -> memref<32768xf32, #tpu.memory_space<hbm>>
    %dma_wait3A_12 = tpu.memref_slice %arg3[%add3A_11] : memref<12582912xf32, #tpu.memory_space<hbm>> -> memref<32768xf32, #tpu.memory_space<hbm>>
    tpu.wait_dma2 semaphore(%arg8 : memref<!tpu.dma_semaphore, #tpu.memory_space<semaphore_mem>>) src(%arg4 : memref<32768xf32, #tpu.memory_space<vmem>>) dst(%dma_wait3A_12 : memref<32768xf32, #tpu.memory_space<hbm>>)
    %add3A_13 = arith.constant 32768 : i32
    %add3A_14 = arith.addi %mul3A_2, %add3A_13 : i32
    %dma_wait3A_15 = tpu.memref_slice %arg3[%add3A_14] : memref<12582912xf32, #tpu.memory_space<hbm>> -> memref<32768xf32, #tpu.memory_space<hbm>>
    %dma_wait3A_16 = tpu.memref_slice %arg3[%add3A_14] : memref<12582912xf32, #tpu.memory_space<hbm>> -> memref<32768xf32, #tpu.memory_space<hbm>>
    tpu.wait_dma2 semaphore(%arg9 : memref<!tpu.dma_semaphore, #tpu.memory_space<semaphore_mem>>) src(%arg5 : memref<32768xf32, #tpu.memory_space<vmem>>) dst(%dma_wait3A_16 : memref<32768xf32, #tpu.memory_space<hbm>>)
    return
  }
}

module attributes {stable_mosaic.version = 14 : i64} {
  func.func @_tc_clip_kernel(%arg0: i32, %arg1: memref<1024x2048xf32, #tpu.memory_space<vmem>>, %arg2: memref<1024x2048xf32, #tpu.memory_space<vmem>>) attributes {dimension_semantics = [#tpu.dimension_semantics<arbitrary>], iteration_bounds = array<i64: 26>, scalar_prefetch = 0 : i64, scratch_operands = 0 : i64, tpu.core_type = #tpu.core_type<tc>, window_params = [{transform_indices = @transform_0, window_bounds = array<i64: 1024, 2048>}, {transform_indices = @transform_1, window_bounds = array<i64: 1024, 2048>}]} {
    %get3A = arith.constant 0 : index
    %get3A_0 = arith.constant 0 : index
    %get3A_1 = vector.load %arg1[%get3A, %get3A_0] : memref<1024x2048xf32, #tpu.memory_space<vmem>>, vector<1024x2048xf32>
    %jit3A = arith.constant 0.000000e+00 : f32
    %jit3A_2 = arith.constant 1.000000e+00 : f32
    %max3A = vector.broadcast %jit3A : f32 to vector<1024x2048xf32>
    %max3A_3 = arith.maximumf %max3A, %get3A_1 : vector<1024x2048xf32>
    %min3A = vector.broadcast %jit3A_2 : f32 to vector<1024x2048xf32>
    %min3A_4 = arith.minimumf %min3A, %max3A_3 : vector<1024x2048xf32>
    %swap3A = arith.constant 0 : index
    %swap3A_5 = arith.constant 0 : index
    %swap3A_6 = vector.load %arg2[%swap3A, %swap3A_5] : memref<1024x2048xf32, #tpu.memory_space<vmem>>, vector<1024x2048xf32>
    tpu.vector_store %arg2[%swap3A, %swap3A_5], %min3A_4 {strides = array<i32>} : memref<1024x2048xf32, #tpu.memory_space<vmem>>, vector<1024x2048xf32>,
    return
  }
  func.func @transform_0(%arg0: i32) -> (i32, i32) {
    %add3A = arith.constant 6 : i32
    %add3A_0 = arith.addi %arg0, %add3A : i32
    %c0_i32 = arith.constant 0 : i32
    %c0_i32_1 = arith.constant 0 : i32
    return %add3A_0, %c0_i32 : i32, i32
  }
  func.func @transform_1(%arg0: i32) -> (i32, i32) {
    %c0_i32 = arith.constant 0 : i32
    %c0_i32_0 = arith.constant 0 : i32
    return %arg0, %c0_i32 : i32, i32
  }
}

</mosaic_0001>

<sc_bundles>
// kernel: kernel.4.cloned.1.call-start
scs
__scs_entry_jumppad:
0x0: {  	(pc) =	sbr.rel $0x88, $3  }
0x1: {  	(tag) =	ssettag $0x0;
	lr =	simm.s32 $0x1  }
0x2: {  	[smem:$0x3FA0] =	sst lr;
	_ =	strace $0xD0000000  }
0x3: {  	_ = 	snop  }
0x4: {  	_ = 	snop  }
0x5: {  	_ = 	snop  }
0x6: {  	_ = 	snop  }
0x7: {  	_ = 	snop  }
__scs_overlays_trampoline_lowered:
0x8: {  	[smem:$0x3FAF] =	sst s0  }
0x9: {  	[smem:$0x3FB0] =	sst s1  }
0xa: {  	[smem:$0x3FB1] =	sst s2  }
0xb: {  	[smem:$0x3FB2] =	sst s3  }
0xc: {  	[smem:$0x3FB3] =	sst s4  }
0xd: {  	[smem:$0x3FB4] =	sst s5  }
0xe: {  	[smem:$0x3FB5] =	sst s6  }
0xf: {  	[smem:$0x3FB6] =	sst s7  }
0x10: {  	[smem:$0x3FB7] =	sst s8  }
0x11: {  	[smem:$0x3FB8] =	sst s9;
	s0 =	simm.s32 @!p0 $0x0  }
0x12: {  	s1 =	sld [smem:$0x3F9E];
	s0 =	simm.s32 @p0 $0x1  }
0x13: {  	[smem:$0x3FB9] =	sst s0;
	s0 =	simm.s32 @!p1 $0x0  }
0x14: {  	s2 =	sld [smem:$0x3F9D];
	s0 =	simm.s32 @p1 $0x1  }
0x15: {  	[smem:$0x3FBA] =	sst s0;
	s0 =	simm.s32 @!p2 $0x0  }
0x16: {  	s3 =	sld [smem:$0x3FDB];
	s0 =	simm.s32 @p2 $0x1  }
0x17: {  	s4 =	simm.s32 $0x1BF5;
	[smem:$0x3FBC] =	sst s0  }
0x18: {  	s0 =	sld [smem:$0x3F9F];
	_ =	swait.ge [sflag:s4], $0x0  }
0x19: {  	s7 =	sld [smem:$0x3FA0]  }
0x1a: {  	s8 =	sadd.s32 $0xFFFFE003, lr  }
0x1b: {  	s9 =	sadd.s32 $0xFFFFFEF7, lr;
	s5 =	simm.s32 $0xFFFFFFFF;
	p2 =	slt.u32 s8, $0xFFFFF086  }
0x1c: {  	p1 =	slt.u32 s9, $0xF7A;
	s5 =	simm.s32 @!p2 $0x0  }
0x1d: {  	s5 =	simm.s32 @p1 $0x1;
	p0 =	seq.s32 s7, s2  }
0x1e: {  	s7 =	smul.u32 @!p0 $0xF7A, s2;
	p2 =	seq.s32 @!p0 s5, $0x0  }
0x1f: {  	s9 =	smul.u32 $0xF7A, s1;
	s8 =	simm.s32 @!p0 $0x1BF5;
	p2 =	por !p2, p0  }
0x20: {  	[sflag:s8] =	ssyncset.s32 @!p0 $0xFFFFF086;
	s6 =	sadd.s32 @!p0 s3, s7;
	s7 =	simm.s32 @!p0 $0x108  }
0x21: {  	s3 =	sadd.s32 s3, s9;
	s6 =	sadd.s32 @!p0 $0x88, s6;
	s7 =	simm.s32 @p2 $0x1082  }
0x22: {  	[simem:s7], [sflag:s8] =	dma.local @!p0 [hbm:s6], $0xF7A  }
0x23: {  	s9 =	sor.u32 $0xD0000000, s2;
	s6 =	simm.s32 $0x108;
	_ =	swait.ge @!p0 [sflag:s8], $0x0  }
0x24: {  	s3 =	sadd.s32 $0x88, s3;
	s6 =	simm.s32 @!p1 $0x1082;
	[sflag:s4] =	ssyncset.s32 $0xFFFFF086  }
0x25: {  	[simem:s6], [sflag:s4] =	dma.local [hbm:s3], $0xF7A  }
0x26: {  	[smem:$0x3FA0] =	sst s1;
	(tag) =	ssettag s2;
	_ =	strace s9  }
0x27: {  	s1 =	sld [smem:$0x3FB0]  }
0x28: {  	s2 =	sld [smem:$0x3FB1]  }
0x29: {  	s4 =	sld [smem:$0x3FB3]  }
0x2a: {  	p0 =	seq.s32 s5, $0x0;
	s5 =	sld [smem:$0x3FB4]  }
0x2b: {  	s6 =	sld [smem:$0x3FB5]  }
0x2c: {  	s7 =	sld [smem:$0x3FB6]  }
0x2d: {  	s3 =	simm.s32 $0x108;
	s8 =	sld [smem:$0x3FB7]  }
0x2e: {  	s3 =	simm.s32 @!p0 $0x1082;
	s9 =	sld [smem:$0x3FB8]  }
0x2f: {  	lr =	sadd.s32 s0, s3;
	s0 =	sld [smem:$0x3FAF]  }
0x30: {  	s3 =	sld [smem:$0x3FB2]  }
0x31: {  	[smem:$0x3FBB] =	sst s10  }
0x32: {  	s10 =	sld [smem:$0x3FB9];
	_ =	sdelay $0x3  }
0x33: {  	p0 =	seq.s32 s10, $0x1;
	s10 =	sld [smem:$0x3FBB];
	_ =	sdelay $0x3  }
0x34: {  	[smem:$0x3FBB] =	sst s10  }
0x35: {  	s10 =	sld [smem:$0x3FBA];
	_ =	sdelay $0x3  }
0x36: {  	p1 =	seq.s32 s10, $0x1;
	s10 =	sld [smem:$0x3FBB];
	_ =	sdelay $0x3  }
0x37: {  	[smem:$0x3FBB] =	sst s10  }
0x38: {  	s10 =	sld [smem:$0x3FBC]  }
0x39: {  	_ = 	snop;
	(pc) =	sbr.ind lr, $3  }
0x3a: {  	_ = 	snop  }
0x3b: {  	_ = 	snop  }
0x3c: {  	p2 =	seq.s32 s10, $0x1;
	s10 =	sld [smem:$0x3FBB]  }
0x3d: {  	_ =	shalt  }
0x3e: {  	_ =	shalt  }
0x3f: {  	_ =	shalt  }
0x40: {  	_ =	shalt  }
0x41: {  	_ =	shalt  }
0x42: {  	_ =	shalt  }
0x43: {  	_ =	shalt  }
0x44: {  	_ =	shalt  }
0x45: {  	_ =	shalt  }
0x46: {  	_ =	shalt  }
0x47: {  	_ =	shalt  }
0x48: {  	_ =	shalt  }
0x49: {  	_ =	shalt  }
0x4a: {  	_ =	shalt  }
0x4b: {  	_ =	shalt  }
0x4c: {  	_ =	shalt  }
0x4d: {  	_ =	shalt  }
0x4e: {  	_ =	shalt  }
0x4f: {  	_ =	shalt  }
0x50: {  	_ =	shalt  }
0x51: {  	_ =	shalt  }
0x52: {  	_ =	shalt  }
0x53: {  	_ =	shalt  }
0x54: {  	_ =	shalt  }
0x55: {  	_ =	shalt  }
0x56: {  	_ =	shalt  }
0x57: {  	_ =	shalt  }
0x58: {  	_ =	shalt  }
0x59: {  	_ =	shalt  }
0x5a: {  	_ =	shalt  }
0x5b: {  	_ =	shalt  }
0x5c: {  	_ =	shalt  }
0x5d: {  	_ =	shalt  }
0x5e: {  	_ =	shalt  }
0x5f: {  	_ =	shalt  }
0x60: {  	_ =	shalt  }
0x61: {  	_ =	shalt  }
0x62: {  	_ =	shalt  }
0x63: {  	_ =	shalt  }
0x64: {  	_ =	shalt  }
0x65: {  	_ =	shalt  }
0x66: {  	_ =	shalt  }
0x67: {  	_ =	shalt  }
0x68: {  	_ =	shalt  }
0x69: {  	_ =	shalt  }
0x6a: {  	_ =	shalt  }
0x6b: {  	_ =	shalt  }
0x6c: {  	_ =	shalt  }
0x6d: {  	_ =	shalt  }
0x6e: {  	_ =	shalt  }
0x6f: {  	_ =	shalt  }
0x70: {  	_ =	shalt  }
0x71: {  	_ =	shalt  }
0x72: {  	_ =	shalt  }
0x73: {  	_ =	shalt  }
0x74: {  	_ =	shalt  }
0x75: {  	_ =	shalt  }
0x76: {  	_ =	shalt  }
0x77: {  	_ =	shalt  }
0x78: {  	_ =	shalt  }
0x79: {  	_ =	shalt  }
0x7a: {  	_ =	shalt  }
0x7b: {  	_ =	shalt  }
0x7c: {  	_ =	shalt  }
0x7d: {  	_ =	shalt  }
0x7e: {  	_ =	shalt  }
0x7f: {  	_ =	shalt  }
0x80: {  	_ =	shalt  }
0x81: {  	_ =	shalt  }
0x82: {  	_ =	shalt  }
0x83: {  	_ =	shalt  }
0x84: {  	_ =	shalt  }
0x85: {  	_ =	shalt  }
0x86: {  	_ =	shalt  }
0x87: {  	_ =	shalt  }
.Lfunc_end0:
.L_simem_size_0:
called_computation.1_lowered:
.L_overlay_start_0:
0x88: {  	s2 =	sld [smem:$0x3FD9]  }
0x89: {  	s3 =	sld [smem:$0x3FFE];
	_ =	sdelay $0x1  }
0x8a: {  	s1 =	srdreg.scid  }
0x8b: {  	s0 =	sand.u32 $0x1, s1  }
0x8c: {  	s17 =	sshll.u32 s0, $0xA;
	s2 =	sadd.s32 s3, s2  }
0x8d: {  	s2 =	sadd.s32 s2, s17  }
0x8e: {  	[smem:$0x3FC7] =	sst s2  }
0x8f: {  	_ = 	snop  }
0x90: {  	s2 =	sld [smem:$0x3FD0];
	(tm) =	ssettm $0x1  }
0x91: {  	s18 =	sld [smem:$0x3FFB];
	_ =	sdelay $0x3  }
0x92: {  	_ =	strace s18  }
0x93: {  	s3 =	sld [smem:$0x3FFC];
	_ =	sdelay $0x3  }
0x94: {  	_ =	strace s3  }
0x95: {  	s3 =	sld [smem:$0x3FFD];
	_ =	sdelay $0x3  }
0x96: {  	_ =	strace s3  }
0x97: {  	_ =	strace $0x8FFFFFFF  }
0x98: {  	s19 =	sld [smem:$0x3FDB];
	_ =	sdelay $0x1  }
0x99: {  	s4 =	simm.s32 $_scs_section_size  }
0x9a: {  	s5 =	simm.s32 $_size__tile_overlayer_lowered;
	s6 =	simm.s32 $_tile_overlayer_lowered  }
0x9b: {  	s22 =	simm.s32 $0x1BFF;
	s21 =	sshll.u32 s6, $0x1;
	s3 =	sadd.s32 s4, s19  }
0x9c: {  	s7 =	simm.s32 $0x0;
	s20 =	sshll.u32 s5, $0x1;
	s5 =	sadd.s32 s21, s3  }
0x9d: {  	[timem:s7], [sflag:s22] =	dma.local [hbm:s5], s20  }
0x9e: {  	_ =	swait.ge [sflag:s22], s20  }
0x9f: {  	s4 =	ssub.s32 $0x0, s20;
	[sflag:s22] =	ssyncset.done $0x0  }
0xa0: {  	[sflag:s22] =	ssyncadd.s32 s4;
	_ =	sdelay $0x1  }
0xa1: {  	s23 =	simm.s32 $0x1B8B  }
0xa2: {  	_ =	swait.ge [sflag:s23], $0x1  }
0xa3: {  	[sflag:s23] =	ssyncset.done $0x0  }
0xa4: {  	s25 =	simm.s32 $0x1B8E;
	s24 =	sld [smem:$0x3FFE];
	[sflag:s23] =	ssyncadd.s32 $0xFFFFFFFF  }
0xa5: {  	s26 =	simm.s32 $execute0_lowered;
	[smem:$0x3FD2] =	sst s25  }
0xa6: {  	s5 =	sshll.u32 s26, $0x1;
	_ =	strace $0x80000049;
	[dreg:$0x1] =	wrdreg $0xFFFFFFFF  }
0xa7: {  	s28 =	simm.s32 $_size_execute0_lowered;
	s3 =	sadd.s32 s3, s5;
	[dreg:$0x0] =	wrdreg $0x0  }
0xa8: {  	s5 =	sshll.u32 s28, $0x1;
	[dreg:$0x2] =	wrdreg s3  }
0xa9: {  	[dreg:$0x3] =	wrdreg s5  }
0xaa: {  	[dreg:$0x4] =	wrdreg $0xC0  }
0xab: {  	_ =	task [dreg:s7], $0x5FFFF  }
0xac: {  	[dreg:$0x1] =	wrdreg $0xFFFFFFFF  }
0xad: {  	[dreg:$0x0] =	wrdreg $0x60  }
0xae: {  	[dreg:$0x2] =	wrdreg s2  }
0xaf: {  	[dreg:$0x3] =	wrdreg s24  }
0xb0: {  	[dreg:$0x4] =	wrdreg $0x9  }
0xb1: {  	_ =	task.clear_ibuf [dreg:s7], $0x5FFFF;
	_ =	strace $0x90000049  }
0xb2: {  	s29 =	simm.s32 $0x9;
	_ =	strace $0x8000004B  }
0xb3: {  	_ =	swait.ge [sflag:s29], $0x1  }
0xb4: {  	[sflag:s29] =	ssyncadd.s32 $0xFFFFFFFF  }
0xb5: {  	_ =	strace $0x9000004B  }
0xb6: {  	_ =	sfence  }
0xb7: {  	s30 =	sld [smem:$0x0];
	_ =	sdelay $0x2  }
0xb8: {  	s31 =	sshll.u32 s1, $0xD;
	s1 =	sshrl.u32 s1, $0x2  }
0xb9: {  	s3 =	sand.u32 $0x4000, s31;
	s1 =	sadd.s32 s1, s30  }
0xba: {  	s0 =	sor.u32 s3, s0;
	s1 =	sshll.u32 s1, $0x11  }
0xbb: {  	s0 =	sor.u32 s1, s0  }
0xbc: {  	s0 =	sadd.s32 $0x8F2B, s0  }
0xbd: {  	[sflag:s0] =	ssyncadd.remote.s32 $0x1  }
0xbe: {  	_ =	sfence.sel $0xFFFF  }
0xbf: {  	[dreg:$0x0] =	wrdreg $0xFFFFFFFF;
	(pc) =	sbr.abs _section_cstart, $3  }
0xc0: {  	[dreg:$0x1] =	wrdreg $0xFFFFFFFF  }
0xc1: {  	_ =	task.clear_ibuf [dreg:s7], $0x2FFFF;
	_ =	strace $0x9FFFFFFF  }
0xc2: {  	(tm) =	ssettm $0x7FFFFFFF  }
0xc3: {  	_ =	shalt  }
tec
execute0_lowered:
.L_overlay_start_1:
0x0: {  	(tag) =	ssettag $0x1  }
0x1: {  	s1 =	srdreg.scid  }
0x2: {  	s0 =	stileid.u32;
	s2 =	rddreg [dreg:$0x0]  }
0x3: {  	s6 =	rddreg [dreg:$0x1];
	s3 =	simm.s32 $0x0;
	s11 =	simm.s32 $0x1  }
0x4: {  	s12 =	simm.s32 $0x2;
	s13 =	simm.s32 $0x3;
	s14 =	simm.s32 $0x4  }
0x5: {  	s15 =	simm.s32 $0x0;
	s5 =	sand.u32 $0x1, s1;
	s31 =	sshll.u32 s0, $0x1  }
0x6: {  	s1 =	rddreg [dreg:$0x2];
	s4 =	sor.u32 s5, s31;
	s7 =	ssub.s32 $0x2, s5  }
0x7: {  	[smem:$0x7FF] =	sst s3;
	s4 =	smul.u32 $0x60000, s4;
	s8 =	sshrl.u32 s7, $0x1  }
0x8: {  	_ =	strace $0x8000004A;
	s5 =	sadd.s32 $0x800, s6;
	s10 =	ssub.s32 s7, s8  }
0x9: {  	s9 =	sshrl.u32 s4, $0x3;
	s7 =	sor.u32 $0x8000, s4;
	s8 =	sor.u32 $0x10000, s4  }
0xa: {  	s6 =	sadd.s32 s2, s9;
	s9 =	smax.u32 s10, $0x1;
	s10 =	simm.s32 $0x8000  }
.LBB2_1:
0xb: {  	[tilespmem:s3], [sflag:$0x1] =	stream.linear.gather [hbm4b:s6+s3], $0x8000, $0x38;
	[tilespmem:$0x10000] =	vst v63  }
0xc: {  	s16 =	simm.s32 $0x0  }
.LBB2_2:
0xd: {  	p0 =	seq.s32 s16, $0x0  }
0xe: {  	s18 =	sshll.u32 s16, $0x10;
	s19 =	simm.s32 @!p0 $0x4  }
0xf: {  	s17 =	sadd.s32 s18, s7;
	_ =	swait.ge @!p0 [sflag:s19], $0x8000  }
0x10: {  	s17 =	sshrl.u32 s17, $0x3;
	[sflag:s19] =	ssyncset.done @!p0 $0x0  }
0x11: {  	s31 =	sadd.s32 s2, s17;
	[sflag:s19] =	ssyncadd.s32 @!p0 $0xFFFF8000  }
0x12: {  	[tilespmem:s10], [sflag:$0x2] =	stream.linear.gather [hbm4b:s31+s3], $0x8000, $0x38;
	[tilespmem:$0x10000] =	vst v63  }
0x13: {  	_ =	swait.ge [sflag:s11], $0x8000  }
0x14: {  	[sflag:s11] =	ssyncset.done $0x0  }
0x15: {  	s19 =	simm.s32 $0x40;
	[sflag:s11] =	ssyncadd.s32 $0xFFFF8000  }
0x16: {  	v1 =	vld [tilespmem:s19+$0xFFFFFFC0]  }
0x17: {  	v2 =	vld [tilespmem:s19+$0xFFFFFFD0]  }
0x18: {  	v4 =	vld [tilespmem:s19+$0xFFFFFFE0]  }
0x19: {  	v3 =	vld [tilespmem:s19+$0x0]  }
0x1a: {  	v0 =	vld [tilespmem:s19+$0x10]  }
0x1b: {  	v5 =	vmax.f32 v1, $0.0e+00;
	v1 =	vld [tilespmem:s19+$0x20]  }
0x1c: {  	v6 =	vmax.f32 v2, $0.0e+00;
	v2 =	vld [tilespmem:s19+$0x30];
	v5 =	vmin.f32 v5, $1.000000000e+00  }
0x1d: {  	s20 =	simm.s32 $0x0;
	s21 =	simm.s32 $0xC0;
	[tilespmem:s19+$0xFFFFFFC0] =	vst v5;
	v5 =	vmin.f32 v6, $1.000000000e+00;
	v6 =	vmax.f32 v4, $0.0e+00;
	v4 =	vld [tilespmem:s19+$0xFFFFFFF0]  }
.LBB2_3:
0x1e: {  	v7 =	vld [tilespmem:s21+$0xFFFFFFC0];
	[tilespmem:s19+$0xFFFFFFD0] =	vst v5;
	v5 =	vmin.f32 v6, $1.000000000e+00;
	v3 =	vmax.f32 v3, $0.0e+00  }
0x1f: {  	s20 =	sadd.s32 $0x8, s20;
	v6 =	vld [tilespmem:s21+$0xFFFFFFD0];
	[tilespmem:s19+$0xFFFFFFE0] =	vst v5;
	v3 =	vmin.f32 v3, $1.000000000e+00;
	v0 =	vmax.f32 v0, $0.0e+00  }
0x20: {  	p0 =	slt.u32 s20, $0x7F8;
	v8 =	vld [tilespmem:s21+$0xFFFFFFE0];
	[tilespmem:s19+$0x0] =	vst v3;
	v0 =	vmin.f32 v0, $1.000000000e+00;
	v1 =	vmax.f32 v1, $0.0e+00  }
.Ltmp0:
0x21: {  	v3 =	vld [tilespmem:s21+$0x0];
	[tilespmem:s19+$0x10] =	vst v0;
	v1 =	vmin.f32 v1, $1.000000000e+00;
	v2 =	vmax.f32 v2, $0.0e+00;
	(pc) =	sbr.rel @p0 .LBB2_3-.Ltmp0, $4  }
0x22: {  	v0 =	vld [tilespmem:s21+$0x10];
	v4 =	vmax.f32 v4, $0.0e+00;
	[tilespmem:s19+$0x20] =	vst v1;
	v2 =	vmin.f32 v2, $1.000000000e+00  }
0x23: {  	v5 =	vmax.f32 v7, $0.0e+00;
	v1 =	vld [tilespmem:s21+$0x20];
	v4 =	vmin.f32 v4, $1.000000000e+00;
	[tilespmem:s19+$0x30] =	vst v2  }
0x24: {  	v5 =	vmin.f32 v5, $1.000000000e+00;
	v6 =	vmax.f32 v6, $0.0e+00;
	v2 =	vld [tilespmem:s21+$0x30];
	[tilespmem:s19+$0xFFFFFFF0] =	vst v4;
	s19 =	smov.u32 s21  }
0x25: {  	s21 =	sadd.s32 $0x80, s21;
	[tilespmem:s19+$0xFFFFFFC0] =	vst v5;
	v5 =	vmin.f32 v6, $1.000000000e+00;
	v6 =	vmax.f32 v8, $0.0e+00;
	v4 =	vld [tilespmem:s19+$0xFFFFFFF0]  }
0x26: {  	[tilespmem:s19+$0xFFFFFFD0] =	vst v5;
	v5 =	vmin.f32 v6, $1.000000000e+00;
	v3 =	vmax.f32 v3, $0.0e+00  }
0x27: {  	[tilespmem:s19+$0xFFFFFFE0] =	vst v5;
	v3 =	vmin.f32 v3, $1.000000000e+00;
	v0 =	vmax.f32 v0, $0.0e+00  }
0x28: {  	[tilespmem:s19+$0x0] =	vst v3;
	v0 =	vmin.f32 v0, $1.000000000e+00;
	v1 =	vmax.f32 v1, $0.0e+00  }
0x29: {  	[tilespmem:s19+$0x10] =	vst v0;
	v0 =	vmin.f32 v1, $1.000000000e+00;
	v1 =	vmax.f32 v2, $0.0e+00  }
0x2a: {  	s20 =	sadd.s32 s4, s18;
	v2 =	vmax.f32 v4, $0.0e+00;
	[tilespmem:s19+$0x20] =	vst v0;
	v0 =	vmin.f32 v1, $1.000000000e+00  }
0x2b: {  	p0 =	seq.s32 s16, $0x5;
	s20 =	sshrl.u32 s20, $0x3;
	v1 =	vmin.f32 v2, $1.000000000e+00;
	[tilespmem:s19+$0x30] =	vst v0  }
0x2c: {  	s31 =	sadd.s32 s5, s20;
	[tilespmem:s19+$0xFFFFFFF0] =	vst v1;
	s19 =	simm.s32 @!p0 $0x3  }
0x2d: {  	[hbm4b:s31+s3] =	stream.linear.scatter [tilespmem:s3], [sflag:$0x3], $0x8000, $0x38;
	[tilespmem:$0x10000] =	vst v63  }
0x2e: {  	s18 =	sadd.s32 @!p0 s18, s8;
	_ =	swait.ge @!p0 [sflag:s19], $0x8000  }
0x2f: {  	s18 =	sshrl.u32 @!p0 s18, $0x3;
	[sflag:s19] =	ssyncset.done @!p0 $0x0  }
0x30: {  	s18 =	sadd.s32 @!p0 s2, s18;
	[sflag:s19] =	ssyncadd.s32 @!p0 $0xFFFF8000;
	s19 =	simm.s32 @!p0 $0x0  }
0x31: {  	[tilespmem:s19], [sflag:$0x1] =	stream.linear.gather @!p0 [hbm4b:s18+s19], $0x8000, $0x38;
	[tilespmem:$0x10000] =	vst v63  }
0x32: {  	_ =	swait.ge [sflag:s12], $0x8000  }
0x33: {  	[sflag:s12] =	ssyncset.done $0x0  }
0x34: {  	s18 =	simm.s32 $0x8040;
	[sflag:s12] =	ssyncadd.s32 $0xFFFF8000  }
0x35: {  	v1 =	vld [tilespmem:s18+$0xFFFFFFC0]  }
0x36: {  	v2 =	vld [tilespmem:s18+$0xFFFFFFD0]  }
0x37: {  	v4 =	vld [tilespmem:s18+$0xFFFFFFE0]  }
0x38: {  	v3 =	vld [tilespmem:s18+$0x0]  }
0x39: {  	v0 =	vld [tilespmem:s18+$0x10]  }
0x3a: {  	v5 =	vmax.f32 v1, $0.0e+00;
	v1 =	vld [tilespmem:s18+$0x20]  }
0x3b: {  	v6 =	vmax.f32 v2, $0.0e+00;
	v2 =	vld [tilespmem:s18+$0x30];
	v5 =	vmin.f32 v5, $1.000000000e+00  }
0x3c: {  	s20 =	simm.s32 $0x80C0;
	s19 =	simm.s32 $0x0;
	[tilespmem:s18+$0xFFFFFFC0] =	vst v5;
	v5 =	vmin.f32 v6, $1.000000000e+00;
	v6 =	vmax.f32 v4, $0.0e+00;
	v4 =	vld [tilespmem:s18+$0xFFFFFFF0]  }
.LBB2_5:
0x3d: {  	v7 =	vld [tilespmem:s20+$0xFFFFFFC0];
	[tilespmem:s18+$0xFFFFFFD0] =	vst v5;
	v5 =	vmin.f32 v6, $1.000000000e+00;
	v3 =	vmax.f32 v3, $0.0e+00  }
0x3e: {  	s19 =	sadd.s32 $0x8, s19;
	v6 =	vld [tilespmem:s20+$0xFFFFFFD0];
	[tilespmem:s18+$0xFFFFFFE0] =	vst v5;
	v3 =	vmin.f32 v3, $1.000000000e+00;
	v0 =	vmax.f32 v0, $0.0e+00  }
0x3f: {  	p0 =	slt.u32 s19, $0x7F8;
	v8 =	vld [tilespmem:s20+$0xFFFFFFE0];
	[tilespmem:s18+$0x0] =	vst v3;
	v0 =	vmin.f32 v0, $1.000000000e+00;
	v1 =	vmax.f32 v1, $0.0e+00  }
.Ltmp1:
0x40: {  	v3 =	vld [tilespmem:s20+$0x0];
	[tilespmem:s18+$0x10] =	vst v0;
	v1 =	vmin.f32 v1, $1.000000000e+00;
	v2 =	vmax.f32 v2, $0.0e+00;
	(pc) =	sbr.rel @p0 .LBB2_5-.Ltmp1, $4  }
0x41: {  	v0 =	vld [tilespmem:s20+$0x10];
	v4 =	vmax.f32 v4, $0.0e+00;
	[tilespmem:s18+$0x20] =	vst v1;
	v2 =	vmin.f32 v2, $1.000000000e+00  }
0x42: {  	v5 =	vmax.f32 v7, $0.0e+00;
	v1 =	vld [tilespmem:s20+$0x20];
	v4 =	vmin.f32 v4, $1.000000000e+00;
	[tilespmem:s18+$0x30] =	vst v2  }
0x43: {  	v5 =	vmin.f32 v5, $1.000000000e+00;
	v6 =	vmax.f32 v6, $0.0e+00;
	v2 =	vld [tilespmem:s20+$0x30];
	[tilespmem:s18+$0xFFFFFFF0] =	vst v4;
	s18 =	smov.u32 s20  }
0x44: {  	s20 =	sadd.s32 $0x80, s20;
	[tilespmem:s18+$0xFFFFFFC0] =	vst v5;
	v5 =	vmin.f32 v6, $1.000000000e+00;
	v6 =	vmax.f32 v8, $0.0e+00;
	v4 =	vld [tilespmem:s18+$0xFFFFFFF0]  }
0x45: {  	[tilespmem:s18+$0xFFFFFFD0] =	vst v5;
	v58 =	vmin.f32 v6, $1.000000000e+00;
	v3 =	vmax.f32 v3, $0.0e+00  }
0x46: {  	s16 =	sadd.s32 $0x1, s16;
	[tilespmem:s18+$0xFFFFFFE0] =	vst v58;
	v3 =	vmin.f32 v3, $1.000000000e+00;
	v0 =	vmax.f32 v0, $0.0e+00  }
0x47: {  	p0 =	sne.s32 s16, $0x6;
	[tilespmem:s18+$0x0] =	vst v3;
	v0 =	vmin.f32 v0, $1.000000000e+00;
	v1 =	vmax.f32 v1, $0.0e+00  }
.Ltmp2:
0x48: {  	[tilespmem:s18+$0x10] =	vst v0;
	v59 =	vmin.f32 v1, $1.000000000e+00;
	v60 =	vmax.f32 v2, $0.0e+00;
	(pc) =	sbr.rel @p0 .LBB2_2-.Ltmp2, $4  }
0x49: {  	v61 =	vmax.f32 v4, $0.0e+00;
	[tilespmem:s18+$0x20] =	vst v59;
	v62 =	vmin.f32 v60, $1.000000000e+00  }
0x4a: {  	v63 =	vmin.f32 v61, $1.000000000e+00;
	[tilespmem:s18+$0x30] =	vst v62  }
0x4b: {  	s17 =	sadd.s32 s5, s17;
	[tilespmem:s18+$0xFFFFFFF0] =	vst v63  }
0x4c: {  	[hbm4b:s17+s3] =	stream.linear.scatter [tilespmem:s10], [sflag:$0x4], $0x8000, $0x38;
	[tilespmem:$0x10000] =	vst v63  }
0x4d: {  	s15 =	sadd.s32 $0x1, s15  }
0x4e: {  	_ =	swait.ge [sflag:s13], $0x8000;
	p0 =	sne.s32 s15, s9  }
.Ltmp3:
0x4f: {  	[sflag:s13] =	ssyncset.done $0x0;
	(pc) =	sbr.rel @p0 .LBB2_1-.Ltmp3, $4  }
0x50: {  	[sflag:s13] =	ssyncadd.s32 $0xFFFF8000  }
0x51: {  	_ =	swait.ge [sflag:s14], $0x8000  }
0x52: {  	[sflag:s14] =	ssyncset.done $0x0  }
0x53: {  	[sflag:s14] =	ssyncadd.s32 $0xFFFF8000  }
0x54: {  	_ =	sfence.sel $0x180000  }
0x55: {  	[bflag:$0x0] =	sbarrier.arrive $0xFFFF  }
0x56: {  	p0 =	sne.s32 s0, $0x0;
	_ =	strace $0x9000004A  }
0x57: {  	s0 =	sadd.s32 @!p0 $0x100000, s1;
	[bflag:$0x2] =	sbarrier.arrive $0xFFFF  }
0x58: {  	[sflag:s0] =	ssyncadd.tile.s32 @!p0 $0x1;
	_ =	shalt  }
.Lfunc_end2:
_tile_overlayer_lowered:
.L_overlay_start_2:
0x59: {  	(tag) =	ssettag $0x2  }
0x5a: {  	s0 =	rddreg [dreg:$0x0];
	s2 =	stileid.u32  }
0x5b: {  	s1 =	rddreg [dreg:$0x1];
	p0 =	sne.s32 s2, $0x0  }
0x5c: {  	s3 =	rddreg [dreg:$0x2];
	[bflag:$0x3] =	sbarrier.arrive $0xFFFF;
	s2 =	simm.s32 @!p0 $0x1C05  }
0x5d: {  	[timem:s3], [sflag:s2] =	dma.local @!p0 [hbm:s0], s1  }
0x5e: {  	s0 =	simm.s32 @!p0 $0x5  }
0x5f: {  	_ =	swait.ge @!p0 [sflag:s0], s1  }
0x60: {  	s1 =	ssub.s32 @!p0 $0x0, s1;
	[sflag:s0] =	ssyncset.done @!p0 $0x0  }
0x61: {  	[sflag:s0] =	ssyncadd.s32 @!p0 s1  }
0x62: {  	[bflag:$0x3] =	sbarrier.arrive $0xFFFF  }
0x63: {  	_ =	shalt  }

// kernel: sparse-core-data-format-call.cloned.1.call-start
scs
called_computation_lowered:
.L_overlay_start_0:
0x0: {  	s2 =	sld [smem:$0x3FD9]  }
0x1: {  	s3 =	sld [smem:$0x3FFE];
	_ =	sdelay $0x1  }
0x2: {  	s1 =	srdreg.scid  }
0x3: {  	s0 =	sand.u32 $0x1, s1  }
0x4: {  	s19 =	sshll.u32 s0, $0xA;
	s2 =	sadd.s32 s3, s2  }
0x5: {  	s2 =	sadd.s32 s2, s19  }
0x6: {  	[smem:$0x3FC7] =	sst s2  }
0x7: {  	_ = 	snop  }
0x8: {  	s2 =	sld [smem:$0x3FC9]  }
0x9: {  	s20 =	sld [smem:$0x3FD0];
	(tm) =	ssettm $0x1  }
0xa: {  	s4 =	sld [smem:$0x3FFB];
	_ =	sdelay $0x3  }
0xb: {  	_ =	strace s4  }
0xc: {  	s4 =	sld [smem:$0x3FFC];
	_ =	sdelay $0x3  }
0xd: {  	_ =	strace s4  }
0xe: {  	s4 =	sld [smem:$0x3FFD];
	_ =	sdelay $0x3  }
0xf: {  	_ =	strace s4  }
0x10: {  	_ =	strace $0x8FFFFFFF  }
0x11: {  	s21 =	sld [smem:$0x3FDB];
	_ =	sdelay $0x1  }
0x12: {  	s5 =	simm.s32 $_scs_section_size  }
0x13: {  	s6 =	simm.s32 $_size__tile_overlayer_lowered;
	s7 =	simm.s32 $_tile_overlayer_lowered  }
0x14: {  	s24 =	simm.s32 $0x1BFF;
	s23 =	sshll.u32 s7, $0x1;
	s4 =	sadd.s32 s5, s21  }
0x15: {  	s8 =	simm.s32 $0x0;
	s22 =	sshll.u32 s6, $0x1;
	s6 =	sadd.s32 s23, s4  }
0x16: {  	[timem:s8], [sflag:s24] =	dma.local [hbm:s6], s22  }
0x17: {  	_ =	swait.ge [sflag:s24], s22  }
0x18: {  	s5 =	ssub.s32 $0x0, s22;
	[sflag:s24] =	ssyncset.done $0x0  }
0x19: {  	[sflag:s24] =	ssyncadd.s32 s5;
	_ =	sdelay $0x1  }
0x1a: {  	s25 =	simm.s32 $0x1B8B  }
0x1b: {  	_ =	swait.ge [sflag:s25], $0x1  }
0x1c: {  	[sflag:s25] =	ssyncset.done $0x0  }
0x1d: {  	s26 =	simm.s32 $0x1B8E;
	[sflag:s25] =	ssyncadd.s32 $0xFFFFFFFF  }
0x1e: {  	s27 =	simm.s32 $execute0_lowered;
	[smem:$0x3FD2] =	sst s26  }
0x1f: {  	s5 =	sshll.u32 s27, $0x1;
	_ =	strace $0x80000046;
	[dreg:$0x1] =	wrdreg $0xFFFFFFFF  }
0x20: {  	s28 =	simm.s32 $_size_execute0_lowered;
	s4 =	sadd.s32 s4, s5;
	[dreg:$0x0] =	wrdreg $0x0  }
0x21: {  	s5 =	sshll.u32 s28, $0x1;
	[dreg:$0x2] =	wrdreg s4  }
0x22: {  	[dreg:$0x3] =	wrdreg s5  }
0x23: {  	[dreg:$0x4] =	wrdreg $0xC0  }
0x24: {  	_ =	task [dreg:s8], $0x5FFFF  }
0x25: {  	[dreg:$0x1] =	wrdreg $0xFFFFFFFF  }
0x26: {  	[dreg:$0x0] =	wrdreg $0x60  }
0x27: {  	[dreg:$0x2] =	wrdreg s2  }
0x28: {  	[dreg:$0x3] =	wrdreg s20  }
0x29: {  	[dreg:$0x4] =	wrdreg $0x9  }
0x2a: {  	_ =	task.clear_ibuf [dreg:s8], $0x5FFFF;
	_ =	strace $0x90000046  }
0x2b: {  	s29 =	simm.s32 $0x9;
	_ =	strace $0x80000048  }
0x2c: {  	_ =	swait.ge [sflag:s29], $0x1  }
0x2d: {  	[sflag:s29] =	ssyncadd.s32 $0xFFFFFFFF  }
0x2e: {  	_ =	strace $0x90000048  }
0x2f: {  	_ =	sfence  }
0x30: {  	s30 =	sld [smem:$0x0];
	_ =	sdelay $0x2  }
0x31: {  	s31 =	sshll.u32 s1, $0xD;
	s1 =	sshrl.u32 s1, $0x2  }
0x32: {  	s3 =	sand.u32 $0x4000, s31;
	s1 =	sadd.s32 s1, s30  }
0x33: {  	s0 =	sor.u32 s3, s0;
	s1 =	sshll.u32 s1, $0x11  }
0x34: {  	s0 =	sor.u32 s1, s0  }
0x35: {  	s0 =	sadd.s32 $0x8F2B, s0  }
0x36: {  	[sflag:s0] =	ssyncadd.remote.s32 $0x1  }
0x37: {  	_ =	sfence.sel $0xFFFF  }
0x38: {  	[dreg:$0x0] =	wrdreg $0xFFFFFFFF;
	(pc) =	sbr.abs _section_cstart, $3  }
0x39: {  	[dreg:$0x1] =	wrdreg $0xFFFFFFFF  }
0x3a: {  	_ =	task.clear_ibuf [dreg:s8], $0x2FFFF;
	_ =	strace $0x9FFFFFFF  }
0x3b: {  	(tm) =	ssettm $0x7FFFFFFF  }
tec
execute0_lowered:
.L_overlay_start_1:
0x0: {  	(tag) =	ssettag $0x1  }
0x1: {  	s2 =	rddreg [dreg:$0x0]  }
0x2: {  	s3 =	rddreg [dreg:$0x1]  }
0x3: {  	s0 =	rddreg [dreg:$0x2];
	s4 =	srdreg.scid  }
.Ltmp0:
0x4: {  	_ =	strace $0x80000047;
	s1 =	stileid.u32;
	(pc) =	sbr.rel .LBB1_1-.Ltmp0, $4  }
0x5: {  	s6 =	simm.s32 $0x2;
	p0 =	por $0x0, $0x0;
	s5 =	sshll.u32 s4, $0x4  }
0x6: {  	s9 =	simm.s32 $0x0;
	s4 =	simm.s32 $0x1;
	s5 =	sand.u32 $0x10, s5  }
0x7: {  	s7 =	simm.s32 $0x0;
	[sflag:s4] =	ssyncpa.u1 $0x0;
	s5 =	sor.u32 s1, s5  }
0x8: {  	[sflag:s6] =	ssyncpa.u1 $0x0;
	s6 =	simm.s32 $0x0;
	s8 =	smov.u32 s5  }
.LBB1_7:
0x9: {  	s11 =	sadd.s32 $0x20, s8  }
0xa: {  	p1 =	slt.u32 s7, $0x2;
	s7 =	sadd.s32 $0x1, s7;
	p2 =	sgt.s32 s11, $0xFFF  }
0xb: {  	s11 =	smov.u32 @p2 s5;
	p2 =	sne.s32 s7, $0x82  }
.Ltmp1:
0xc: {  	_ = 	snop;
	(pc) =	sbr.rel @!p2 .LBB1_8-.Ltmp1, $4  }
0xd: {  	s10 =	simm.s32 @!p1 $0x2  }
0xe: {  	_ =	swait.ge @!p1 [sflag:s10], $0x4000  }
0xf: {  	s9 =	smov.u32 s8;
	[sflag:s10] =	ssyncset.done @!p1 $0x0  }
0x10: {  	p0 =	por !p0, !p0;
	s8 =	smov.u32 s11;
	[sflag:s10] =	ssyncadd.s32 @!p1 $0xFFFFC000  }
.LBB1_1:
0x11: {  	p1 =	sgt.u32 s7, $0x7F  }
0x12: {  	s10 =	sxor.u32 @!p1 $0xFFFFFFFF, s7  }
0x13: {  	s11 =	sshll.u32 @!p1 s8, $0xB;
	s10 =	sshll.u32 @!p1 s10, $0xE  }
0x14: {  	s12 =	simm.s32 @!p1 $0x0;
	s11 =	sadd.s32 @!p1 s2, s11;
	s10 =	sand.u32 @!p1 $0x4000, s10  }
0x15: {  	[tilespmem:s10], [sflag:$0x1] =	stream.linear.gather @!p1 [hbm4b:s11+s12], $0x4000, $0x38;
	[tilespmem:$0x10000] =	vst v63  }
0x16: {  	p1 =	seq.s32 s7, $0x0  }
0x17: {  	p2 =	seq.s32 @!p1 s7, $0x81  }
0x18: {  	p1 =	por p1, p2  }
.Ltmp2:
0x19: {  	_ = 	snop;
	(pc) =	sbr.rel @p1 .LBB1_7-.Ltmp2, $1  }
0x1a: {  	_ =	sdelay $0x3  }
0x1b: {  	s10 =	simm.s32 $0x1;
	_ =	swait.ge [sflag:s4], $0x4000;
	s12 =	sshll.u32 s7, $0xE  }
0x1c: {  	s13 =	simm.s32 $0x0;
	s10 =	simm.s32 @!p0 $0x0;
	[sflag:s4] =	ssyncset.done $0x0  }
0x1d: {  	s12 =	sand.u32 $0x4000, s12;
	s11 =	sshll.u32 s10, $0xE;
	[sflag:s4] =	ssyncadd.s32 $0xFFFFC000  }
0x1e: {  	s12 =	sor.u32 $0x8000, s12;
	s10 =	sor.u32 $0x8040, s11;
	s11 =	sor.u32 $0x40, s11  }
.LBB1_3:
0x1f: {  	v0 =	vmov s11;
	_ =	sdelay $0x3  }
0x20: {  	s15 =	simm.s32 $0x0  }
0x21: {  	v6 =	vld.idx.msk [tilespmem:v0+s15+$0x30 ss:$0x1], $0xffff  }
0x22: {  	v7 =	vld.idx.msk [tilespmem:v0+s15+$0xFFFFFFC0 ss:$0x1], $0xffff  }
0x23: {  	v5 =	vld.idx.msk [tilespmem:v0+s15+$0xFFFFFFD0 ss:$0x1], $0xffff  }
0x24: {  	v4 =	vld.idx.msk [tilespmem:v0+s15+$0xFFFFFFE0 ss:$0x1], $0xffff  }
0x25: {  	v3 =	vld.idx.msk [tilespmem:v0+s15+$0xFFFFFFF0 ss:$0x1], $0xffff  }
0x26: {  	v1 =	vld.idx.msk [tilespmem:v0+s15+$0x0 ss:$0x1], $0xffff  }
0x27: {  	v2 =	vld.idx.msk [tilespmem:v0+s15+$0x10 ss:$0x1], $0xffff;
	[tilespmem:s10+$0x30] =	vst v6  }
0x28: {  	s14 =	simm.s32 $0x80;
	s16 =	simm.s32 $0x400;
	[tilespmem:s10+$0xFFFFFFC0] =	vst v7;
	v6 =	vld.idx.msk [tilespmem:v0+s15+$0x20 ss:$0x1], $0xffff;
	s15 =	smov.u32 s10  }
.LBB1_4:
0x29: {  	p1 =	sne.s32 s16, $0xE00;
	v7 =	vld.idx.msk [tilespmem:v0+s14+$0x30 ss:$0x1], $0xffff;
	[tilespmem:s15+$0xFFFFFFD0] =	vst v5  }
0x2a: {  	v8 =	vld.idx.msk [tilespmem:v0+s14+$0xFFFFFFC0 ss:$0x1], $0xffff;
	[tilespmem:s15+$0xFFFFFFE0] =	vst v4  }
0x2b: {  	v5 =	vld.idx.msk [tilespmem:v0+s14+$0xFFFFFFD0 ss:$0x1], $0xffff;
	[tilespmem:s15+$0xFFFFFFF0] =	vst v3  }
.Ltmp3:
0x2c: {  	v4 =	vld.idx.msk [tilespmem:v0+s14+$0xFFFFFFE0 ss:$0x1], $0xffff;
	[tilespmem:s15+$0x0] =	vst v1;
	(pc) =	sbr.rel @p1 .LBB1_4-.Ltmp3, $4  }
0x2d: {  	v3 =	vld.idx.msk [tilespmem:v0+s14+$0xFFFFFFF0 ss:$0x1], $0xffff;
	[tilespmem:s15+$0x10] =	vst v2  }
0x2e: {  	v1 =	vld.idx.msk [tilespmem:v0+s14+$0x0 ss:$0x1], $0xffff;
	[tilespmem:s15+$0x20] =	vst v6;
	s15 =	sadd.s32 $0x800, s15  }
0x2f: {  	v2 =	vld.idx.msk [tilespmem:v0+s14+$0x10 ss:$0x1], $0xffff;
	[tilespmem:s15+$0x30] =	vst v7  }
0x30: {  	[tilespmem:s15+$0xFFFFFFC0] =	vst v8;
	v6 =	vld.idx.msk [tilespmem:v0+s14+$0x20 ss:$0x1], $0xffff;
	s14 =	sshra.s32 s16, $0x2;
	s16 =	sadd.s32 $0x200, s16  }
0x31: {  	_ =	sdelay $0x2  }
0x32: {  	[tilespmem:s15+$0xFFFFFFD0] =	vst v5  }
0x33: {  	v56 =	vld.idx.msk [tilespmem:v0+s14+$0x30 ss:$0x1], $0xffff;
	[tilespmem:s15+$0xFFFFFFE0] =	vst v4  }
0x34: {  	v57 =	vld.idx.msk [tilespmem:v0+s14+$0xFFFFFFC0 ss:$0x1], $0xffff;
	[tilespmem:s15+$0xFFFFFFF0] =	vst v3  }
0x35: {  	v58 =	vld.idx.msk [tilespmem:v0+s14+$0xFFFFFFD0 ss:$0x1], $0xffff;
	[tilespmem:s15+$0x0] =	vst v1  }
0x36: {  	v59 =	vld.idx.msk [tilespmem:v0+s14+$0xFFFFFFE0 ss:$0x1], $0xffff;
	[tilespmem:s15+$0x10] =	vst v2  }
0x37: {  	v60 =	vld.idx.msk [tilespmem:v0+s14+$0xFFFFFFF0 ss:$0x1], $0xffff;
	s31 =	sadd.s32 $0x800, s15;
	[tilespmem:s15+$0x20] =	vst v6  }
0x38: {  	v61 =	vld.idx.msk [tilespmem:v0+s14+$0x0 ss:$0x1], $0xffff;
	[tilespmem:s31+$0x30] =	vst v56  }
0x39: {  	v62 =	vld.idx.msk [tilespmem:v0+s14+$0x10 ss:$0x1], $0xffff;
	s13 =	sadd.s32 $0x1, s13;
	[tilespmem:s31+$0xFFFFFFC0] =	vst v57  }
0x3a: {  	v63 =	vld.idx.msk [tilespmem:v0+s14+$0x20 ss:$0x1], $0xffff;
	p1 =	sne.s32 s13, $0x10;
	[tilespmem:s31+$0xFFFFFFD0] =	vst v58  }
.Ltmp4:
0x3b: {  	[tilespmem:s31+$0xFFFFFFE0] =	vst v59;
	(pc) =	sbr.rel @p1 .LBB1_3-.Ltmp4, $4  }
0x3c: {  	[tilespmem:s31+$0xFFFFFFF0] =	vst v60  }
0x3d: {  	[tilespmem:s31+$0x0] =	vst v61  }
0x3e: {  	[tilespmem:s31+$0x10] =	vst v62  }
0x3f: {  	s10 =	sadd.s32 $0x80, s10;
	s11 =	sadd.s32 $0x400, s11;
	[tilespmem:s31+$0x20] =	vst v63  }
.Ltmp5:
0x40: {  	(pc) =	sbr.rel .LBB1_7-.Ltmp5, $4  }
0x41: {  	_ = 	snop  }
0x42: {  	s9 =	sshll.u32 s9, $0xB  }
0x43: {  	s9 =	sadd.s32 s3, s9  }
0x44: {  	[hbm4b:s9+s6] =	stream.linear.scatter [tilespmem:s12], [sflag:$0x2], $0x4000, $0x38;
	[tilespmem:$0x10000] =	vst v63  }
.LBB1_8:
0x45: {  	_ =	sfence.sel $0x180000  }
0x46: {  	s2 =	simm.s32 $0x1;
	[bflag:$0x0] =	sbarrier.arrive $0xFFFF  }
0x47: {  	s31 =	simm.s32 $0x2;
	[sflag:s2] =	ssyncpa.u1 $0x1  }
0x48: {  	[sflag:s31] =	ssyncpa.u1 $0x1  }
0x49: {  	p0 =	sne.s32 s1, $0x0;
	_ =	strace $0x90000047  }
0x4a: {  	s0 =	sadd.s32 @!p0 $0x100000, s0;
	[bflag:$0x2] =	sbarrier.arrive $0xFFFF  }
0x4b: {  	[sflag:s0] =	ssyncadd.tile.s32 @!p0 $0x1;
	_ =	shalt  }
.Lfunc_end1:
_tile_overlayer_lowered:
.L_overlay_start_2:
0x4c: {  	(tag) =	ssettag $0x2  }
0x4d: {  	s0 =	rddreg [dreg:$0x0];
	s2 =	stileid.u32  }
0x4e: {  	s1 =	rddreg [dreg:$0x1];
	p0 =	sne.s32 s2, $0x0  }
0x4f: {  	s3 =	rddreg [dreg:$0x2];
	[bflag:$0x3] =	sbarrier.arrive $0xFFFF;
	s2 =	simm.s32 @!p0 $0x1C01  }
0x50: {  	[timem:s3], [sflag:s2] =	dma.local @!p0 [hbm:s0], s1  }
0x51: {  	s0 =	simm.s32 @!p0 $0x1  }
0x52: {  	_ =	swait.ge @!p0 [sflag:s0], s1  }
0x53: {  	s1 =	ssub.s32 @!p0 $0x0, s1;
	[sflag:s0] =	ssyncset.done @!p0 $0x0  }
0x54: {  	[sflag:s0] =	ssyncadd.s32 @!p0 s1  }
0x55: {  	[bflag:$0x3] =	sbarrier.arrive $0xFFFF  }
0x56: {  	_ =	shalt  }

</sc_bundles>
